<compile_context>
chip_gen: v7x
topology: tpu7x:2x2x1
jax: 0.10.2.dev20260603
libtpu: 0.0.44.dev20260713+nightly
codegen_flags: <defaults>
</compile_context>

<pallas_src>
import functools

import jax
import jax.numpy as jnp
from jax import lax
from jax.experimental import pallas as pl
from jax.experimental.pallas import tpu as pltpu
from jax.experimental.pallas import tpu_sc as plsc

NC = 2
NS = 16
NW = NC * NS
CHUNK = 128


def _sc_mesh():
    return plsc.VectorSubcoreMesh(
        core_axis_name="c", subcore_axis_name="s", num_cores=NC, num_subcores=NS
    )


def _k1_body(n_pad, ept, e_off, edge_hbm, out_hbm, idx_d, idx_t, ones_v, tmp_v, deg_sp,
             semd0, semd1, sems0, sems1):
    c = lax.axis_index("c")
    s = lax.axis_index("s")
    base = (c * NS + s) * ept
    rows_per = n_pad // NS
    nfull = ept // CHUNK
    tail = ept % CHUNK

    for j in range(CHUNK // 16):
        ones_v[pl.ds(j * 16, 16)] = jnp.ones((16,), jnp.float32)

    def zbody(j, carry):
        tmp_v[pl.ds(j * 16, 16)] = jnp.zeros((16,), jnp.float32)
        return carry

    lax.fori_loop(0, rows_per // 16, zbody, 0)
    pltpu.sync_copy(tmp_v, deg_sp.at[pl.ds(s * rows_per, rows_per)])
    plsc.subcore_barrier()

    def dload(j, k, sem):
        pltpu.async_copy(edge_hbm.at[pl.ds(e_off + base + j * CHUNK, CHUNK)],
                         idx_d.at[k], sem)

    def dwait(k, sem):
        pltpu.make_async_copy(edge_hbm.at[pl.ds(0, CHUNK)], idx_d.at[k],
                              sem).wait()

    def scat(k, sem):
        pltpu.async_copy(ones_v, deg_sp.at[idx_d.at[k]], sem, add=True)

    def swait(k, sem):
        pltpu.make_async_copy(ones_v, deg_sp.at[idx_d.at[k]], sem).wait()

    if nfull > 0:
        dload(0, 0, semd0)

        def pair(p, carry):
            j0 = p * 2
            j1 = j0 + 1

            @pl.when(j1 < nfull)
            def _():
                @pl.when(p > 0)
                def _():
                    swait(1, sems1)

                dload(j1, 1, semd1)

            dwait(0, semd0)
            scat(0, sems0)

            @pl.when(j1 < nfull)
            def _():
                @pl.when(j1 + 1 < nfull)
                def _():
                    swait(0, sems0)
                    dload(j1 + 1, 0, semd0)

                dwait(1, semd1)
                scat(1, sems1)

            return carry

        lax.fori_loop(0, (nfull + 1) // 2, pair, 0)
        swait(0, sems0)
        if nfull > 1:
            swait(1, sems1)

    if tail > 0:
        pltpu.sync_copy(edge_hbm.at[pl.ds(e_off + base + nfull * CHUNK, tail)], idx_t)
        pltpu.sync_copy(ones_v.at[pl.ds(0, tail)], deg_sp.at[idx_t], add=True)

    plsc.subcore_barrier()
    pltpu.sync_copy(deg_sp.at[pl.ds(s * rows_per, rows_per)], tmp_v)
    pltpu.sync_copy(tmp_v, out_hbm.at[pl.ds(c * n_pad + s * rows_per, rows_per)])


def _deg_partials(edge, n_pad):
    e_off = edge.shape[0] // 2
    ept = e_off // NW
    tail = ept % CHUNK
    rows_per = n_pad // NS
    k = pl.kernel(
        functools.partial(_k1_body, n_pad, ept, e_off),
        out_type=jax.ShapeDtypeStruct((NC * n_pad,), jnp.float32),
        mesh=_sc_mesh(),
        scratch_types=[
            pltpu.VMEM((2, CHUNK), jnp.int32),
            pltpu.VMEM((max(tail, 8),), jnp.int32),
            pltpu.VMEM((CHUNK,), jnp.float32),
            pltpu.VMEM((rows_per,), jnp.float32),
            pltpu.VMEM_SHARED((n_pad,), jnp.float32),
            pltpu.SemaphoreType.DMA,
            pltpu.SemaphoreType.DMA,
            pltpu.SemaphoreType.DMA,
            pltpu.SemaphoreType.DMA,
        ],
    )
    return k(edge)


def _k2a_body(x_ref, w_ref, h_ref):
    h_ref[...] = jnp.dot(x_ref[...], w_ref[...],
                         preferred_element_type=jnp.float32)


def _transform(x, w):
    n, d_in = x.shape
    d_out = w.shape[1]
    blk = 2000
    return pl.pallas_call(
        _k2a_body,
        grid=(n // blk,),
        in_specs=[
            pl.BlockSpec((blk, d_in), lambda i: (i, 0)),
            pl.BlockSpec((d_in, d_out), lambda i: (0, 0)),
        ],
        out_specs=pl.BlockSpec((blk, d_out), lambda i: (i, 0)),
        out_shape=jax.ShapeDtypeStruct((n, d_out), jnp.float32),
    )(x, w)


def _k2b_body(h_ref, dsum_ref, g_ref):
    dis = lax.rsqrt(dsum_ref[...] + 1.0)
    g_ref[...] = h_ref[...] * dis


def _scale(h, degsum):
    n, d = h.shape
    blk = 2000
    row_spec = pl.BlockSpec((blk, d), lambda i: (i, 0))
    col_spec = pl.BlockSpec((blk, 1), lambda i: (i, 0))
    return pl.pallas_call(
        _k2b_body,
        grid=(n // blk,),
        in_specs=[row_spec, col_spec],
        out_specs=row_spec,
        out_shape=jax.ShapeDtypeStruct((n, d), jnp.float32),
    )(h, degsum)


def _k3_body(n_pad, ept, d, e_off, g_hbm, edge_hbm, out_hbm,
             idx_s, idx_d, idx_t, rows0, rows1, acc_sp,
             sem0, sem1, semd0, semd1):
    c = lax.axis_index("c")
    s = lax.axis_index("s")
    base = (c * NS + s) * ept
    rows_per = n_pad // NS
    nfull = ept // CHUNK
    tail = ept % CHUNK

    pltpu.sync_copy(edge_hbm.at[pl.ds(base, ept)], idx_s)

    def zrow(r, carry):
        def zcol(j, carry2):
            rows0[r, pl.ds(j * 16, 16)] = jnp.zeros((16,), jnp.float32)
            return carry2
        return lax.fori_loop(0, d // 16, zcol, carry)

    lax.fori_loop(0, CHUNK, zrow, 0)

    def ibody(k_, carry):
        pltpu.sync_copy(rows0, acc_sp.at[pl.ds(s * rows_per + k_ * CHUNK, CHUNK)])
        return carry

    lax.fori_loop(0, rows_per // CHUNK, ibody, 0)
    plsc.subcore_barrier()

    def gather(j, rows, sem):
        pltpu.async_copy(g_hbm.at[idx_s.at[pl.ds(j * CHUNK, CHUNK)]], rows, sem)

    def gwait(rows, sem):
        pltpu.make_async_copy(g_hbm.at[idx_s.at[pl.ds(0, CHUNK)]], rows,
                              sem).wait()

    def dload(j, k, sem):
        pltpu.async_copy(edge_hbm.at[pl.ds(e_off + base + j * CHUNK, CHUNK)],
                         idx_d.at[k], sem)

    def dwait(k, sem):
        pltpu.make_async_copy(edge_hbm.at[pl.ds(0, CHUNK)], idx_d.at[k],
                              sem).wait()

    if nfull > 0:
        dload(0, 0, semd0)
        gather(0, rows0, sem0)

        def pair(p, carry):
            j0 = p * 2
            j1 = j0 + 1

            @pl.when(j1 < nfull)
            def _():
                dload(j1, 1, semd1)
                gather(j1, rows1, sem1)

            gwait(rows0, sem0)
            dwait(0, semd0)
            pltpu.sync_copy(rows0, acc_sp.at[idx_d.at[0]], add=True)

            @pl.when(j1 < nfull)
            def _():
                @pl.when(j1 + 1 < nfull)
                def _():
                    dload(j1 + 1, 0, semd0)
                    gather(j1 + 1, rows0, sem0)

                gwait(rows1, sem1)
                dwait(1, semd1)
                pltpu.sync_copy(rows1, acc_sp.at[idx_d.at[1]], add=True)

            return carry

        lax.fori_loop(0, (nfull + 1) // 2, pair, 0)

    if tail > 0:
        pltpu.sync_copy(edge_hbm.at[pl.ds(e_off + base + nfull * CHUNK, tail)], idx_t)
        pltpu.async_copy(
            g_hbm.at[idx_s.at[pl.ds(nfull * CHUNK, tail)]],
            rows0.at[pl.ds(0, tail)], sem0).wait()
        pltpu.sync_copy(rows0.at[pl.ds(0, tail)], acc_sp.at[idx_t], add=True)

    plsc.subcore_barrier()

    nout = rows_per // CHUNK

    def oread(k_, rows, sem):
        pltpu.async_copy(acc_sp.at[pl.ds(s * rows_per + k_ * CHUNK, CHUNK)],
                         rows, sem)

    def owait(rows, sem):
        pltpu.make_async_copy(acc_sp.at[pl.ds(0, CHUNK)], rows, sem).wait()

    oread(0, rows0, sem0)

    def opair(p, carry):
        k0 = p * 2
        k1 = k0 + 1

        @pl.when(k1 < nout)
        def _():
            oread(k1, rows1, sem1)

        owait(rows0, sem0)
        pltpu.sync_copy(rows0, out_hbm.at[pl.ds(c * n_pad + k0 * CHUNK
                                                + s * rows_per, CHUNK)])

        @pl.when(k1 < nout)
        def _():
            @pl.when(k1 + 1 < nout)
            def _():
                oread(k1 + 1, rows0, sem0)

            owait(rows1, sem1)
            pltpu.sync_copy(rows1, out_hbm.at[pl.ds(c * n_pad + k1 * CHUNK
                                                    + s * rows_per, CHUNK)])

        return carry

    lax.fori_loop(0, (nout + 1) // 2, opair, 0)


def _aggregate(g, edge, n_pad):
    d = g.shape[1]
    e_off = edge.shape[0] // 2
    ept = e_off // NW
    tail = ept % CHUNK
    k = pl.kernel(
        functools.partial(_k3_body, n_pad, ept, d, e_off),
        out_type=jax.ShapeDtypeStruct((NC * n_pad, d), jnp.float32),
        mesh=_sc_mesh(),
        scratch_types=[
            pltpu.VMEM((ept,), jnp.int32),
            pltpu.VMEM((2, CHUNK), jnp.int32),
            pltpu.VMEM((max(tail, 8),), jnp.int32),
            pltpu.VMEM((CHUNK, d), jnp.float32),
            pltpu.VMEM((CHUNK, d), jnp.float32),
            pltpu.VMEM_SHARED((n_pad, d), jnp.float32),
            pltpu.SemaphoreType.DMA,
            pltpu.SemaphoreType.DMA,
            pltpu.SemaphoreType.DMA,
            pltpu.SemaphoreType.DMA,
        ],
    )
    return k(g, edge)


def _k4_body(x_ref, a0_ref, a1_ref, g_ref, dsum_ref, b_ref, o_ref):
    dis = lax.rsqrt(dsum_ref[...] + 1.0)
    t = dis * (a0_ref[0] + a1_ref[0] + g_ref[...]) + b_ref[...]
    o_ref[...] = x_ref[...] + jnp.maximum(t, 0.0)


def _epilogue(x, acc, g, degsum, b2d):
    n, d = x.shape
    blk = 2000
    grid = (n // blk,)
    row_spec = pl.BlockSpec((blk, d), lambda i: (i, 0))
    col_spec = pl.BlockSpec((blk, 1), lambda i: (i, 0))
    return pl.pallas_call(
        _k4_body,
        grid=grid,
        in_specs=[row_spec,
                  pl.BlockSpec((1, blk, d), lambda i: (0, i, 0)),
                  pl.BlockSpec((1, blk, d), lambda i: (1, i, 0)),
                  row_spec, col_spec,
                  pl.BlockSpec((1, d), lambda i: (0, 0))],
        out_specs=row_spec,
        out_shape=jax.ShapeDtypeStruct((n, d), jnp.float32),
    )(x, acc, acc, g, degsum, b2d)


def kernel(x, edge_index, W, b):
    n, d_in = x.shape
    d_out = W.shape[1]
    e = edge_index.shape[1]

    n_pad = ((n + (NS * CHUNK) - 1) // (NS * CHUNK)) * (NS * CHUNK)

    edge = edge_index.astype(jnp.int32)
    qe = NW * 8
    e_pad = ((e + qe - 1) // qe) * qe
    if e_pad != e:
        pad = jnp.stack([jnp.zeros((e_pad - e,), jnp.int32),
                         jnp.full((e_pad - e,), n, jnp.int32)])
        edge = jnp.concatenate([edge, pad], axis=1)
    edge = edge.reshape(2 * e_pad)

    degp = _deg_partials(edge, n_pad)
    h = _transform(x, W)
    degsum = (degp[:n] + degp[n_pad:n_pad + n]).reshape(n, 1)

    g = _scale(h, degsum)

    acc = _aggregate(g, edge, n_pad)
    acc3 = acc.reshape(NC, n_pad, d_out)

    out = _epilogue(x, acc3, g, degsum, b.reshape(1, d_out))
    return out

# --- scband reference (transcript-rebuilt; emitter-appended) ---
"""Pipeline reference for scband-gcnconv-layer-36361193128559 (READ-ONLY COPY).

The authoritative reference and input builder live on the scoring server;
editing this copy changes nothing except your own understanding.
"""

import jax, jax.numpy as jnp
import numpy as np

N_NODES = 10000
N_EDGES = 320000
DIM_IN = 128
DIM_OUT = 128


def setup_inputs(seed: int = 0) -> dict:
    key = jax.random.key(seed)
    k1, k2, k3, k4 = jax.random.split(key, 4)
    x = jax.random.normal(k1, (N_NODES, DIM_IN), dtype=jnp.float32)
    edge_index = jax.random.randint(k2, (2, N_EDGES), 0, N_NODES, dtype=jnp.int64)
    # GCNConv linear weight (glorot) and bias (zeros at init in PyG)
    limit = float(np.sqrt(6.0 / (DIM_IN + DIM_OUT)))
    W = jax.random.uniform(k3, (DIM_IN, DIM_OUT), dtype=jnp.float32, minval=-limit, maxval=limit)
    b = jnp.zeros((DIM_OUT,), dtype=jnp.float32)
    return {"x": x, "edge_index": edge_index, "W": W, "b": b}


def reference(x, edge_index, W, b):
    # GCNConv (PyG semantics: normalize=True, add_self_loops=True, bias=True)
    N = x.shape[0]
    loop = jnp.arange(N, dtype=edge_index.dtype)
    src = jnp.concatenate([edge_index[0], loop])
    dst = jnp.concatenate([edge_index[1], loop])
    # symmetric degree normalization (degree computed on dst with unit edge weights)
    ones = jnp.ones(src.shape[0], dtype=x.dtype)
    deg = jax.ops.segment_sum(ones, dst, num_segments=N)
    deg_inv_sqrt = jnp.where(deg > 0, jax.lax.rsqrt(jnp.maximum(deg, 1e-12)), 0.0)
    norm = deg_inv_sqrt[src] * deg_inv_sqrt[dst]
    # linear transform, gather messages, scatter-add to destinations
    h = x @ W
    msg = h[src] * norm[:, None]
    out = jax.ops.segment_sum(msg, dst, num_segments=N)
    out = out + b
    # act = ReLU
    out = jax.nn.relu(out)
    # dropout is a no-op in eval mode (p applied only when training)
    # residual
    out = x + out
    return out

if __name__ == "__main__":
    import jax
    _d = setup_inputs()
    print(jax.jit(kernel)(*tuple(_d.values())))

</pallas_src>

<mosaic_0001>
#map = affine_map<(d0, d1) -> (0, 0)>
#map1 = affine_map<(d0, d1) -> (0)>
module attributes {stable_mosaic.version = 14 : i64} {
  func.func @_k3_body(%arg0: i32, %arg1: i32, %arg2: memref<10000x128xf32, #tpu.memory_space<hbm>>, %arg3: memref<640000xi32, #tpu.memory_space<hbm>>, %arg4: memref<20480x128xf32, #tpu.memory_space<hbm>>, %arg5: memref<10000xi32, #tpu.memory_space<vmem>>, %arg6: memref<2x128xi32, #tpu.memory_space<vmem>>, %arg7: memref<16xi32, #tpu.memory_space<vmem>>, %arg8: memref<128x128xf32, #tpu.memory_space<vmem>>, %arg9: memref<128x128xf32, #tpu.memory_space<vmem>>, %arg10: memref<10240x128xf32, #tpu.memory_space<vmem_shared>>, %arg11: memref<!tpu.dma_semaphore, #tpu.memory_space<semaphore_mem>>, %arg12: memref<!tpu.dma_semaphore, #tpu.memory_space<semaphore_mem>>, %arg13: memref<!tpu.dma_semaphore, #tpu.memory_space<semaphore_mem>>, %arg14: memref<!tpu.dma_semaphore, #tpu.memory_space<semaphore_mem>>) attributes {dimension_semantics = [#tpu.dimension_semantics<core_parallel>, #tpu.dimension_semantics<subcore_parallel>], iteration_bounds = array<i64: 2, 16>, scalar_prefetch = 0 : i64, scratch_operands = 10 : i64, tpu.core_type = #tpu.core_type<sc_vector_subcore>, window_params = [{transform_indices = #map}, {transform_indices = #map1}, {transform_indices = #map}]} {
    %mul3A = arith.constant 16 : i32
    %mul3A_0 = arith.muli %arg0, %mul3A : i32
    %add3A = arith.addi %mul3A_0, %arg1 : i32
    %mul3A_1 = arith.constant 10000 : i32
    %mul3A_2 = arith.muli %add3A, %mul3A_1 : i32
    "tpu.region"() ({
      %run_scoped3A = tpu.sem_alloc : memref<!tpu.dma_semaphore, #tpu.memory_space<semaphore_mem>>
      %dma_start3A_71 = tpu.memref_slice %arg3[%mul3A_2] : memref<640000xi32, #tpu.memory_space<hbm>> -> memref<10000xi32, #tpu.memory_space<hbm>>
      %dma_start3A_72 = tpu.memref_slice %arg3[%mul3A_2] : memref<640000xi32, #tpu.memory_space<hbm>> -> memref<10000xi32, #tpu.memory_space<hbm>>
      tpu.enqueue_dma source(%dma_start3A_72 : memref<10000xi32, #tpu.memory_space<hbm>>) target(%arg5 : memref<10000xi32, #tpu.memory_space<vmem>>) target_semaphore(%run_scoped3A : memref<!tpu.dma_semaphore, #tpu.memory_space<semaphore_mem>>)
      %dma_wait3A_73 = tpu.memref_slice %arg3[%mul3A_2] : memref<640000xi32, #tpu.memory_space<hbm>> -> memref<10000xi32, #tpu.memory_space<hbm>>
      %dma_wait3A_74 = tpu.memref_slice %arg3[%mul3A_2] : memref<640000xi32, #tpu.memory_space<hbm>> -> memref<10000xi32, #tpu.memory_space<hbm>>
      tpu.wait_dma2 semaphore(%run_scoped3A : memref<!tpu.dma_semaphore, #tpu.memory_space<semaphore_mem>>) src(%dma_wait3A_74 : memref<10000xi32, #tpu.memory_space<hbm>>) dst(%arg5 : memref<10000xi32, #tpu.memory_space<vmem>>)
      tpu.yield
    }) : () -> ()
    %scan3A = arith.constant 0 : i32
    %scan3A_3 = arith.constant 0 : i32
    %scan3A_4 = arith.constant 128 : i32
    %scan3A_5 = arith.addi %scan3A_3, %scan3A_4 : i32
    %scan3A_6 = arith.constant 1 : i32
    scf.for %scan3A_71 = %scan3A_3 to %scan3A_5 step %scan3A_6  : i32 {
      %scan3A_72 = arith.constant 0 : i32
      %scan3A_73 = arith.constant 8 : i32
      %scan3A_74 = arith.addi %scan3A_72, %scan3A_73 : i32
      %scan3A_75 = arith.constant 1 : i32
      scf.for %scan3A_77 = %scan3A_72 to %scan3A_74 step %scan3A_75  : i32 {
        %broadcast_in_dim3A = arith.constant 0.000000e+00 : f32
        %broadcast_in_dim3A_78 = vector.broadcast %broadcast_in_dim3A : f32 to vector<16xf32>
        %mul3A_79 = arith.constant 16 : i32
        %mul3A_80 = arith.muli %scan3A_77, %mul3A_79 : i32
        %swap3A = arith.index_cast %scan3A_71 : i32 to index
        %swap3A_81 = arith.index_cast %mul3A_80 : i32 to index
        %swap3A_82 = tpu.vector_load %arg8[%swap3A, %swap3A_81] {strides = array<i32>} : memref<128x128xf32, #tpu.memory_space<vmem>>, vector<1x16xf32>,
        %swap3A_83 = vector.shape_cast %swap3A_82 : vector<1x16xf32> to vector<16xf32>
        %swap3A_84 = vector.shape_cast %broadcast_in_dim3A_78 : vector<16xf32> to vector<1x16xf32>
        tpu.vector_store %arg8[%swap3A, %swap3A_81], %swap3A_84 {strides = array<i32>} : memref<128x128xf32, #tpu.memory_space<vmem>>, vector<1x16xf32>,
      }
      %scan3A_76 = arith.constant 8 : i32
    }
    %scan3A_7 = arith.constant 128 : i32
    %scan3A_8 = arith.constant 0 : i32
    %scan3A_9 = arith.constant 0 : i32
    %scan3A_10 = arith.constant 5 : i32
    %scan3A_11 = arith.addi %scan3A_9, %scan3A_10 : i32
    %scan3A_12 = arith.constant 1 : i32
    scf.for %scan3A_71 = %scan3A_9 to %scan3A_11 step %scan3A_12  : i32 {
      %mul3A_72 = arith.constant 640 : i32
      %mul3A_73 = arith.muli %arg1, %mul3A_72 : i32
      %mul3A_74 = arith.constant 128 : i32
      %mul3A_75 = arith.muli %scan3A_71, %mul3A_74 : i32
      %add3A_76 = arith.addi %mul3A_73, %mul3A_75 : i32
      "tpu.region"() ({
        %run_scoped3A = tpu.sem_alloc : memref<!tpu.dma_semaphore, #tpu.memory_space<semaphore_mem>>
        %dma_start3A_77 = arith.constant 0 : i32
        %dma_start3A_78 = tpu.memref_slice %arg10[%add3A_76, %dma_start3A_77] : memref<10240x128xf32, #tpu.memory_space<vmem_shared>> -> memref<128x128xf32, #tpu.memory_space<vmem_shared>>
        %dma_start3A_79 = arith.constant 0 : i32
        %dma_start3A_80 = tpu.memref_slice %arg10[%add3A_76, %dma_start3A_79] : memref<10240x128xf32, #tpu.memory_space<vmem_shared>> -> memref<128x128xf32, #tpu.memory_space<vmem_shared>>
        tpu.enqueue_dma source(%arg8 : memref<128x128xf32, #tpu.memory_space<vmem>>) target(%dma_start3A_80 : memref<128x128xf32, #tpu.memory_space<vmem_shared>>) target_semaphore(%run_scoped3A : memref<!tpu.dma_semaphore, #tpu.memory_space<semaphore_mem>>)
        %dma_wait3A_81 = arith.constant 0 : i32
        %dma_wait3A_82 = tpu.memref_slice %arg10[%add3A_76, %dma_wait3A_81] : memref<10240x128xf32, #tpu.memory_space<vmem_shared>> -> memref<128x128xf32, #tpu.memory_space<vmem_shared>>
        %dma_wait3A_83 = arith.constant 0 : i32
        %dma_wait3A_84 = tpu.memref_slice %arg10[%add3A_76, %dma_wait3A_83] : memref<10240x128xf32, #tpu.memory_space<vmem_shared>> -> memref<128x128xf32, #tpu.memory_space<vmem_shared>>
        tpu.wait_dma2 semaphore(%run_scoped3A : memref<!tpu.dma_semaphore, #tpu.memory_space<semaphore_mem>>) src(%arg8 : memref<128x128xf32, #tpu.memory_space<vmem>>) dst(%dma_wait3A_84 : memref<128x128xf32, #tpu.memory_space<vmem_shared>>)
        tpu.yield
      }) : () -> ()
    }
    %scan3A_13 = arith.constant 5 : i32
    %barrier3A = arith.constant 0 : index
    tpu.barrier barrier_id(%barrier3A)
    %add3A_14 = arith.constant 320000 : i32
    %add3A_15 = arith.addi %add3A_14, %mul3A_2 : i32
    %add3A_16 = arith.constant 0 : i32
    %add3A_17 = arith.addi %add3A_15, %add3A_16 : i32
    %dma_start3A = arith.constant 0 : i32
    %dma_start3A_18 = arith.constant 0 : i32
    %dma_start3A_19 = tpu.memref_slice %arg6[%dma_start3A, %dma_start3A_18] : memref<2x128xi32, #tpu.memory_space<vmem>> -> memref<1x128xi32, #tpu.memory_space<vmem>>
    %dma_start3A_20 = tpu.memref_squeeze %dma_start3A_19 : memref<1x128xi32, #tpu.memory_space<vmem>> -> memref<128xi32, #tpu.memory_space<vmem>>
    %dma_start3A_21 = tpu.memref_slice %arg3[%add3A_17] : memref<640000xi32, #tpu.memory_space<hbm>> -> memref<128xi32, #tpu.memory_space<hbm>>
    %dma_start3A_22 = arith.constant 0 : i32
    %dma_start3A_23 = tpu.memref_slice %arg6[%dma_start3A, %dma_start3A_22] : memref<2x128xi32, #tpu.memory_space<vmem>> -> memref<1x128xi32, #tpu.memory_space<vmem>>
    %dma_start3A_24 = tpu.memref_squeeze %dma_start3A_23 : memref<1x128xi32, #tpu.memory_space<vmem>> -> memref<128xi32, #tpu.memory_space<vmem>>
    %dma_start3A_25 = tpu.memref_slice %arg3[%add3A_17] : memref<640000xi32, #tpu.memory_space<hbm>> -> memref<128xi32, #tpu.memory_space<hbm>>
    tpu.enqueue_dma source(%dma_start3A_25 : memref<128xi32, #tpu.memory_space<hbm>>) target(%dma_start3A_24 : memref<128xi32, #tpu.memory_space<vmem>>) target_semaphore(%arg13 : memref<!tpu.dma_semaphore, #tpu.memory_space<semaphore_mem>>)
    %dma_start3A_26 = arith.constant 0 : i32
    %dma_start3A_27 = tpu.memref_slice %arg5[%dma_start3A_26] : memref<10000xi32, #tpu.memory_space<vmem>> -> memref<128xi32, #tpu.memory_space<vmem>>
    %dma_start3A_28 = arith.constant 0 : i32
    %dma_start3A_29 = arith.constant 0 : i32
    %dma_start3A_30 = tpu.memref_slice %arg2[%dma_start3A_28, %dma_start3A_29] : memref<10000x128xf32, #tpu.memory_space<hbm>> -> memref<10000x128xf32, #tpu.memory_space<hbm>>
    tpu.enqueue_indirect_dma source(%dma_start3A_30 : memref<10000x128xf32, #tpu.memory_space<hbm>>) target(%arg8 : memref<128x128xf32, #tpu.memory_space<vmem>>) offsets(%dma_start3A_27 : memref<128xi32, #tpu.memory_space<vmem>>) semaphore(%arg11 : memref<!tpu.dma_semaphore, #tpu.memory_space<semaphore_mem>>)
    %scan3A_31 = arith.constant 0 : i32
    %scan3A_32 = arith.constant 0 : i32
    %scan3A_33 = arith.constant 39 : i32
    %scan3A_34 = arith.addi %scan3A_32, %scan3A_33 : i32
    %scan3A_35 = arith.constant 1 : i32
    scf.for %scan3A_71 = %scan3A_32 to %scan3A_34 step %scan3A_35  : i32 {
      %mul3A_72 = arith.constant 2 : i32
      %mul3A_73 = arith.muli %scan3A_71, %mul3A_72 : i32
      %add3A_74 = arith.constant 1 : i32
      %add3A_75 = arith.addi %mul3A_73, %add3A_74 : i32
      %lt3A = arith.constant 78 : i32
      %lt3A_76 = arith.cmpi slt, %add3A_75, %lt3A : i32
      %convert_element_type3A = arith.extui %lt3A_76 : i1 to i32
      %cond3A = arith.constant 0 : i32
      %cond3A_77 = arith.cmpi ne, %convert_element_type3A, %cond3A : i32
      scf.if %cond3A_77 {
        %add3A_99 = arith.constant 320000 : i32
        %add3A_100 = arith.addi %add3A_99, %mul3A_2 : i32
        %mul3A_101 = arith.constant 128 : i32
        %mul3A_102 = arith.muli %add3A_75, %mul3A_101 : i32
        %add3A_103 = arith.addi %add3A_100, %mul3A_102 : i32
        %dma_start3A_104 = arith.constant 1 : i32
        %dma_start3A_105 = arith.constant 0 : i32
        %dma_start3A_106 = tpu.memref_slice %arg6[%dma_start3A_104, %dma_start3A_105] : memref<2x128xi32, #tpu.memory_space<vmem>> -> memref<1x128xi32, #tpu.memory_space<vmem>>
        %dma_start3A_107 = tpu.memref_squeeze %dma_start3A_106 : memref<1x128xi32, #tpu.memory_space<vmem>> -> memref<128xi32, #tpu.memory_space<vmem>>
        %dma_start3A_108 = tpu.memref_slice %arg3[%add3A_103] : memref<640000xi32, #tpu.memory_space<hbm>> -> memref<128xi32, #tpu.memory_space<hbm>>
        %dma_start3A_109 = arith.constant 0 : i32
        %dma_start3A_110 = tpu.memref_slice %arg6[%dma_start3A_104, %dma_start3A_109] : memref<2x128xi32, #tpu.memory_space<vmem>> -> memref<1x128xi32, #tpu.memory_space<vmem>>
        %dma_start3A_111 = tpu.memref_squeeze %dma_start3A_110 : memref<1x128xi32, #tpu.memory_space<vmem>> -> memref<128xi32, #tpu.memory_space<vmem>>
        %dma_start3A_112 = tpu.memref_slice %arg3[%add3A_103] : memref<640000xi32, #tpu.memory_space<hbm>> -> memref<128xi32, #tpu.memory_space<hbm>>
        tpu.enqueue_dma source(%dma_start3A_112 : memref<128xi32, #tpu.memory_space<hbm>>) target(%dma_start3A_111 : memref<128xi32, #tpu.memory_space<vmem>>) target_semaphore(%arg14 : memref<!tpu.dma_semaphore, #tpu.memory_space<semaphore_mem>>)
        %mul3A_113 = arith.constant 128 : i32
        %mul3A_114 = arith.muli %add3A_75, %mul3A_113 : i32
        %dma_start3A_115 = tpu.memref_slice %arg5[%mul3A_114] : memref<10000xi32, #tpu.memory_space<vmem>> -> memref<128xi32, #tpu.memory_space<vmem>>
        %dma_start3A_116 = arith.constant 0 : i32
        %dma_start3A_117 = arith.constant 0 : i32
        %dma_start3A_118 = tpu.memref_slice %arg2[%dma_start3A_116, %dma_start3A_117] : memref<10000x128xf32, #tpu.memory_space<hbm>> -> memref<10000x128xf32, #tpu.memory_space<hbm>>
        tpu.enqueue_indirect_dma source(%dma_start3A_118 : memref<10000x128xf32, #tpu.memory_space<hbm>>) target(%arg9 : memref<128x128xf32, #tpu.memory_space<vmem>>) offsets(%dma_start3A_115 : memref<128xi32, #tpu.memory_space<vmem>>) semaphore(%arg12 : memref<!tpu.dma_semaphore, #tpu.memory_space<semaphore_mem>>)
      } else {
      }
      %dma_wait3A_78 = arith.constant 0 : i32
      %dma_wait3A_79 = tpu.memref_slice %arg5[%dma_wait3A_78] : memref<10000xi32, #tpu.memory_space<vmem>> -> memref<128xi32, #tpu.memory_space<vmem>>
      %dma_wait3A_80 = arith.constant 0 : i32
      %dma_wait3A_81 = arith.constant 0 : i32
      %dma_wait3A_82 = tpu.memref_slice %arg2[%dma_wait3A_80, %dma_wait3A_81] : memref<10000x128xf32, #tpu.memory_space<hbm>> -> memref<10000x128xf32, #tpu.memory_space<hbm>>
      tpu.wait_indirect_dma semaphore(%arg11 : memref<!tpu.dma_semaphore, #tpu.memory_space<semaphore_mem>>) src(%dma_wait3A_82 : memref<10000x128xf32, #tpu.memory_space<hbm>>) dst(%arg8 : memref<128x128xf32, #tpu.memory_space<vmem>>)
      %dma_wait3A_83 = arith.constant 0 : i32
      %dma_wait3A_84 = arith.constant 0 : i32
      %dma_wait3A_85 = tpu.memref_slice %arg6[%dma_wait3A_83, %dma_wait3A_84] : memref<2x128xi32, #tpu.memory_space<vmem>> -> memref<1x128xi32, #tpu.memory_space<vmem>>
      %dma_wait3A_86 = tpu.memref_squeeze %dma_wait3A_85 : memref<1x128xi32, #tpu.memory_space<vmem>> -> memref<128xi32, #tpu.memory_space<vmem>>
      %dma_wait3A_87 = arith.constant 0 : i32
      %dma_wait3A_88 = tpu.memref_slice %arg3[%dma_wait3A_87] : memref<640000xi32, #tpu.memory_space<hbm>> -> memref<128xi32, #tpu.memory_space<hbm>>
      %dma_wait3A_89 = arith.constant 0 : i32
      %dma_wait3A_90 = tpu.memref_slice %arg6[%dma_wait3A_83, %dma_wait3A_89] : memref<2x128xi32, #tpu.memory_space<vmem>> -> memref<1x128xi32, #tpu.memory_space<vmem>>
      %dma_wait3A_91 = tpu.memref_squeeze %dma_wait3A_90 : memref<1x128xi32, #tpu.memory_space<vmem>> -> memref<128xi32, #tpu.memory_space<vmem>>
      %dma_wait3A_92 = arith.constant 0 : i32
      %dma_wait3A_93 = tpu.memref_slice %arg3[%dma_wait3A_92] : memref<640000xi32, #tpu.memory_space<hbm>> -> memref<128xi32, #tpu.memory_space<hbm>>
      tpu.wait_dma2 semaphore(%arg13 : memref<!tpu.dma_semaphore, #tpu.memory_space<semaphore_mem>>) src(%dma_wait3A_93 : memref<128xi32, #tpu.memory_space<hbm>>) dst(%dma_wait3A_91 : memref<128xi32, #tpu.memory_space<vmem>>)
      %run_scoped3A = arith.constant 0 : i32
      "tpu.region"() ({
        %run_scoped3A_99 = tpu.sem_alloc : memref<!tpu.dma_semaphore, #tpu.memory_space<semaphore_mem>>
        %dma_start3A_100 = arith.constant 0 : i32
        %dma_start3A_101 = tpu.memref_slice %arg6[%run_scoped3A, %dma_start3A_100] : memref<2x128xi32, #tpu.memory_space<vmem>> -> memref<1x128xi32, #tpu.memory_space<vmem>>
        %dma_start3A_102 = tpu.memref_squeeze %dma_start3A_101 : memref<1x128xi32, #tpu.memory_space<vmem>> -> memref<128xi32, #tpu.memory_space<vmem>>
        %dma_start3A_103 = arith.constant 0 : i32
        %dma_start3A_104 = arith.constant 0 : i32
        %dma_start3A_105 = tpu.memref_slice %arg10[%dma_start3A_103, %dma_start3A_104] : memref<10240x128xf32, #tpu.memory_space<vmem_shared>> -> memref<10240x128xf32, #tpu.memory_space<vmem_shared>>
        tpu.enqueue_indirect_dma source(%arg8 : memref<128x128xf32, #tpu.memory_space<vmem>>) target(%dma_start3A_105 : memref<10240x128xf32, #tpu.memory_space<vmem_shared>>) offsets(%dma_start3A_102 : memref<128xi32, #tpu.memory_space<vmem>>) semaphore(%run_scoped3A_99 : memref<!tpu.dma_semaphore, #tpu.memory_space<semaphore_mem>>) {add = true}
        %dma_wait3A_106 = arith.constant 0 : i32
        %dma_wait3A_107 = tpu.memref_slice %arg6[%run_scoped3A, %dma_wait3A_106] : memref<2x128xi32, #tpu.memory_space<vmem>> -> memref<1x128xi32, #tpu.memory_space<vmem>>
        %dma_wait3A_108 = tpu.memref_squeeze %dma_wait3A_107 : memref<1x128xi32, #tpu.memory_space<vmem>> -> memref<128xi32, #tpu.memory_space<vmem>>
        %dma_wait3A_109 = arith.constant 0 : i32
        %dma_wait3A_110 = arith.constant 0 : i32
        %dma_wait3A_111 = tpu.memref_slice %arg10[%dma_wait3A_109, %dma_wait3A_110] : memref<10240x128xf32, #tpu.memory_space<vmem_shared>> -> memref<10240x128xf32, #tpu.memory_space<vmem_shared>>
        tpu.wait_indirect_dma semaphore(%run_scoped3A_99 : memref<!tpu.dma_semaphore, #tpu.memory_space<semaphore_mem>>) src(%arg8 : memref<128x128xf32, #tpu.memory_space<vmem>>) dst(%dma_wait3A_111 : memref<10240x128xf32, #tpu.memory_space<vmem_shared>>)
        tpu.yield
      }) : () -> ()
      %lt3A_94 = arith.constant 78 : i32
      %lt3A_95 = arith.cmpi slt, %add3A_75, %lt3A_94 : i32
      %convert_element_type3A_96 = arith.extui %lt3A_95 : i1 to i32
      %cond3A_97 = arith.constant 0 : i32
      %cond3A_98 = arith.cmpi ne, %convert_element_type3A_96, %cond3A_97 : i32
      scf.if %cond3A_98 {
        %add3A_99 = arith.constant 1 : i32
        %add3A_100 = arith.addi %add3A_75, %add3A_99 : i32
        %lt3A_101 = arith.constant 78 : i32
        %lt3A_102 = arith.cmpi slt, %add3A_100, %lt3A_101 : i32
        %convert_element_type3A_103 = arith.extui %lt3A_102 : i1 to i32
        %cond3A_104 = arith.constant 0 : i32
        %cond3A_105 = arith.cmpi ne, %convert_element_type3A_103, %cond3A_104 : i32
        scf.if %cond3A_105 {
          %add3A_123 = arith.constant 1 : i32
          %add3A_124 = arith.addi %add3A_75, %add3A_123 : i32
          %add3A_125 = arith.constant 320000 : i32
          %add3A_126 = arith.addi %add3A_125, %mul3A_2 : i32
          %mul3A_127 = arith.constant 128 : i32
          %mul3A_128 = arith.muli %add3A_124, %mul3A_127 : i32
          %add3A_129 = arith.addi %add3A_126, %mul3A_128 : i32
          %dma_start3A_130 = arith.constant 0 : i32
          %dma_start3A_131 = arith.constant 0 : i32
          %dma_start3A_132 = tpu.memref_slice %arg6[%dma_start3A_130, %dma_start3A_131] : memref<2x128xi32, #tpu.memory_space<vmem>> -> memref<1x128xi32, #tpu.memory_space<vmem>>
          %dma_start3A_133 = tpu.memref_squeeze %dma_start3A_132 : memref<1x128xi32, #tpu.memory_space<vmem>> -> memref<128xi32, #tpu.memory_space<vmem>>
          %dma_start3A_134 = tpu.memref_slice %arg3[%add3A_129] : memref<640000xi32, #tpu.memory_space<hbm>> -> memref<128xi32, #tpu.memory_space<hbm>>
          %dma_start3A_135 = arith.constant 0 : i32
          %dma_start3A_136 = tpu.memref_slice %arg6[%dma_start3A_130, %dma_start3A_135] : memref<2x128xi32, #tpu.memory_space<vmem>> -> memref<1x128xi32, #tpu.memory_space<vmem>>
          %dma_start3A_137 = tpu.memref_squeeze %dma_start3A_136 : memref<1x128xi32, #tpu.memory_space<vmem>> -> memref<128xi32, #tpu.memory_space<vmem>>
          %dma_start3A_138 = tpu.memref_slice %arg3[%add3A_129] : memref<640000xi32, #tpu.memory_space<hbm>> -> memref<128xi32, #tpu.memory_space<hbm>>
          tpu.enqueue_dma source(%dma_start3A_138 : memref<128xi32, #tpu.memory_space<hbm>>) target(%dma_start3A_137 : memref<128xi32, #tpu.memory_space<vmem>>) target_semaphore(%arg13 : memref<!tpu.dma_semaphore, #tpu.memory_space<semaphore_mem>>)
          %add3A_139 = arith.constant 1 : i32
          %add3A_140 = arith.addi %add3A_75, %add3A_139 : i32
          %mul3A_141 = arith.constant 128 : i32
          %mul3A_142 = arith.muli %add3A_140, %mul3A_141 : i32
          %dma_start3A_143 = tpu.memref_slice %arg5[%mul3A_142] : memref<10000xi32, #tpu.memory_space<vmem>> -> memref<128xi32, #tpu.memory_space<vmem>>
          %dma_start3A_144 = arith.constant 0 : i32
          %dma_start3A_145 = arith.constant 0 : i32
          %dma_start3A_146 = tpu.memref_slice %arg2[%dma_start3A_144, %dma_start3A_145] : memref<10000x128xf32, #tpu.memory_space<hbm>> -> memref<10000x128xf32, #tpu.memory_space<hbm>>
          tpu.enqueue_indirect_dma source(%dma_start3A_146 : memref<10000x128xf32, #tpu.memory_space<hbm>>) target(%arg8 : memref<128x128xf32, #tpu.memory_space<vmem>>) offsets(%dma_start3A_143 : memref<128xi32, #tpu.memory_space<vmem>>) semaphore(%arg11 : memref<!tpu.dma_semaphore, #tpu.memory_space<semaphore_mem>>)
        } else {
        }
        %dma_wait3A_106 = arith.constant 0 : i32
        %dma_wait3A_107 = tpu.memref_slice %arg5[%dma_wait3A_106] : memref<10000xi32, #tpu.memory_space<vmem>> -> memref<128xi32, #tpu.memory_space<vmem>>
        %dma_wait3A_108 = arith.constant 0 : i32
        %dma_wait3A_109 = arith.constant 0 : i32
        %dma_wait3A_110 = tpu.memref_slice %arg2[%dma_wait3A_108, %dma_wait3A_109] : memref<10000x128xf32, #tpu.memory_space<hbm>> -> memref<10000x128xf32, #tpu.memory_space<hbm>>
        tpu.wait_indirect_dma semaphore(%arg12 : memref<!tpu.dma_semaphore, #tpu.memory_space<semaphore_mem>>) src(%dma_wait3A_110 : memref<10000x128xf32, #tpu.memory_space<hbm>>) dst(%arg9 : memref<128x128xf32, #tpu.memory_space<vmem>>)
        %dma_wait3A_111 = arith.constant 1 : i32
        %dma_wait3A_112 = arith.constant 0 : i32
        %dma_wait3A_113 = tpu.memref_slice %arg6[%dma_wait3A_111, %dma_wait3A_112] : memref<2x128xi32, #tpu.memory_space<vmem>> -> memref<1x128xi32, #tpu.memory_space<vmem>>
        %dma_wait3A_114 = tpu.memref_squeeze %dma_wait3A_113 : memref<1x128xi32, #tpu.memory_space<vmem>> -> memref<128xi32, #tpu.memory_space<vmem>>
        %dma_wait3A_115 = arith.constant 0 : i32
        %dma_wait3A_116 = tpu.memref_slice %arg3[%dma_wait3A_115] : memref<640000xi32, #tpu.memory_space<hbm>> -> memref<128xi32, #tpu.memory_space<hbm>>
        %dma_wait3A_117 = arith.constant 0 : i32
        %dma_wait3A_118 = tpu.memref_slice %arg6[%dma_wait3A_111, %dma_wait3A_117] : memref<2x128xi32, #tpu.memory_space<vmem>> -> memref<1x128xi32, #tpu.memory_space<vmem>>
        %dma_wait3A_119 = tpu.memref_squeeze %dma_wait3A_118 : memref<1x128xi32, #tpu.memory_space<vmem>> -> memref<128xi32, #tpu.memory_space<vmem>>
        %dma_wait3A_120 = arith.constant 0 : i32
        %dma_wait3A_121 = tpu.memref_slice %arg3[%dma_wait3A_120] : memref<640000xi32, #tpu.memory_space<hbm>> -> memref<128xi32, #tpu.memory_space<hbm>>
        tpu.wait_dma2 semaphore(%arg14 : memref<!tpu.dma_semaphore, #tpu.memory_space<semaphore_mem>>) src(%dma_wait3A_121 : memref<128xi32, #tpu.memory_space<hbm>>) dst(%dma_wait3A_119 : memref<128xi32, #tpu.memory_space<vmem>>)
        %run_scoped3A_122 = arith.constant 1 : i32
        "tpu.region"() ({
          %run_scoped3A_123 = tpu.sem_alloc : memref<!tpu.dma_semaphore, #tpu.memory_space<semaphore_mem>>
          %dma_start3A_124 = arith.constant 0 : i32
          %dma_start3A_125 = tpu.memref_slice %arg6[%run_scoped3A_122, %dma_start3A_124] : memref<2x128xi32, #tpu.memory_space<vmem>> -> memref<1x128xi32, #tpu.memory_space<vmem>>
          %dma_start3A_126 = tpu.memref_squeeze %dma_start3A_125 : memref<1x128xi32, #tpu.memory_space<vmem>> -> memref<128xi32, #tpu.memory_space<vmem>>
          %dma_start3A_127 = arith.constant 0 : i32
          %dma_start3A_128 = arith.constant 0 : i32
          %dma_start3A_129 = tpu.memref_slice %arg10[%dma_start3A_127, %dma_start3A_128] : memref<10240x128xf32, #tpu.memory_space<vmem_shared>> -> memref<10240x128xf32, #tpu.memory_space<vmem_shared>>
          tpu.enqueue_indirect_dma source(%arg9 : memref<128x128xf32, #tpu.memory_space<vmem>>) target(%dma_start3A_129 : memref<10240x128xf32, #tpu.memory_space<vmem_shared>>) offsets(%dma_start3A_126 : memref<128xi32, #tpu.memory_space<vmem>>) semaphore(%run_scoped3A_123 : memref<!tpu.dma_semaphore, #tpu.memory_space<semaphore_mem>>) {add = true}
          %dma_wait3A_130 = arith.constant 0 : i32
          %dma_wait3A_131 = tpu.memref_slice %arg6[%run_scoped3A_122, %dma_wait3A_130] : memref<2x128xi32, #tpu.memory_space<vmem>> -> memref<1x128xi32, #tpu.memory_space<vmem>>
          %dma_wait3A_132 = tpu.memref_squeeze %dma_wait3A_131 : memref<1x128xi32, #tpu.memory_space<vmem>> -> memref<128xi32, #tpu.memory_space<vmem>>
          %dma_wait3A_133 = arith.constant 0 : i32
          %dma_wait3A_134 = arith.constant 0 : i32
          %dma_wait3A_135 = tpu.memref_slice %arg10[%dma_wait3A_133, %dma_wait3A_134] : memref<10240x128xf32, #tpu.memory_space<vmem_shared>> -> memref<10240x128xf32, #tpu.memory_space<vmem_shared>>
          tpu.wait_indirect_dma semaphore(%run_scoped3A_123 : memref<!tpu.dma_semaphore, #tpu.memory_space<semaphore_mem>>) src(%arg9 : memref<128x128xf32, #tpu.memory_space<vmem>>) dst(%dma_wait3A_135 : memref<10240x128xf32, #tpu.memory_space<vmem_shared>>)
          tpu.yield
        }) : () -> ()
      } else {
      }
    }
    %scan3A_36 = arith.constant 39 : i32
    %add3A_37 = arith.constant 320000 : i32
    %add3A_38 = arith.addi %add3A_37, %mul3A_2 : i32
    %add3A_39 = arith.constant 9984 : i32
    %add3A_40 = arith.addi %add3A_38, %add3A_39 : i32
    "tpu.region"() ({
      %run_scoped3A = tpu.sem_alloc : memref<!tpu.dma_semaphore, #tpu.memory_space<semaphore_mem>>
      %dma_start3A_71 = tpu.memref_slice %arg3[%add3A_40] : memref<640000xi32, #tpu.memory_space<hbm>> -> memref<16xi32, #tpu.memory_space<hbm>>
      %dma_start3A_72 = tpu.memref_slice %arg3[%add3A_40] : memref<640000xi32, #tpu.memory_space<hbm>> -> memref<16xi32, #tpu.memory_space<hbm>>
      tpu.enqueue_dma source(%dma_start3A_72 : memref<16xi32, #tpu.memory_space<hbm>>) target(%arg7 : memref<16xi32, #tpu.memory_space<vmem>>) target_semaphore(%run_scoped3A : memref<!tpu.dma_semaphore, #tpu.memory_space<semaphore_mem>>)
      %dma_wait3A_73 = tpu.memref_slice %arg3[%add3A_40] : memref<640000xi32, #tpu.memory_space<hbm>> -> memref<16xi32, #tpu.memory_space<hbm>>
      %dma_wait3A_74 = tpu.memref_slice %arg3[%add3A_40] : memref<640000xi32, #tpu.memory_space<hbm>> -> memref<16xi32, #tpu.memory_space<hbm>>
      tpu.wait_dma2 semaphore(%run_scoped3A : memref<!tpu.dma_semaphore, #tpu.memory_space<semaphore_mem>>) src(%dma_wait3A_74 : memref<16xi32, #tpu.memory_space<hbm>>) dst(%arg7 : memref<16xi32, #tpu.memory_space<vmem>>)
      tpu.yield
    }) : () -> ()
    %dma_start3A_41 = arith.constant 0 : i32
    %dma_start3A_42 = arith.constant 0 : i32
    %dma_start3A_43 = tpu.memref_slice %arg8[%dma_start3A_41, %dma_start3A_42] : memref<128x128xf32, #tpu.memory_space<vmem>> -> memref<16x128xf32, #tpu.memory_space<vmem>>
    %dma_start3A_44 = arith.constant 9984 : i32
    %dma_start3A_45 = tpu.memref_slice %arg5[%dma_start3A_44] : memref<10000xi32, #tpu.memory_space<vmem>> -> memref<16xi32, #tpu.memory_space<vmem>>
    %dma_start3A_46 = arith.constant 0 : i32
    %dma_start3A_47 = arith.constant 0 : i32
    %dma_start3A_48 = tpu.memref_slice %arg2[%dma_start3A_46, %dma_start3A_47] : memref<10000x128xf32, #tpu.memory_space<hbm>> -> memref<10000x128xf32, #tpu.memory_space<hbm>>
    tpu.enqueue_indirect_dma source(%dma_start3A_48 : memref<10000x128xf32, #tpu.memory_space<hbm>>) target(%dma_start3A_43 : memref<16x128xf32, #tpu.memory_space<vmem>>) offsets(%dma_start3A_45 : memref<16xi32, #tpu.memory_space<vmem>>) semaphore(%arg11 : memref<!tpu.dma_semaphore, #tpu.memory_space<semaphore_mem>>)
    %dma_wait3A = arith.constant 0 : i32
    %dma_wait3A_49 = arith.constant 0 : i32
    %dma_wait3A_50 = tpu.memref_slice %arg8[%dma_wait3A, %dma_wait3A_49] : memref<128x128xf32, #tpu.memory_space<vmem>> -> memref<16x128xf32, #tpu.memory_space<vmem>>
    %dma_wait3A_51 = arith.constant 9984 : i32
    %dma_wait3A_52 = tpu.memref_slice %arg5[%dma_wait3A_51] : memref<10000xi32, #tpu.memory_space<vmem>> -> memref<16xi32, #tpu.memory_space<vmem>>
    %dma_wait3A_53 = arith.constant 0 : i32
    %dma_wait3A_54 = arith.constant 0 : i32
    %dma_wait3A_55 = tpu.memref_slice %arg2[%dma_wait3A_53, %dma_wait3A_54] : memref<10000x128xf32, #tpu.memory_space<hbm>> -> memref<10000x128xf32, #tpu.memory_space<hbm>>
    tpu.wait_indirect_dma semaphore(%arg11 : memref<!tpu.dma_semaphore, #tpu.memory_space<semaphore_mem>>) src(%dma_wait3A_55 : memref<10000x128xf32, #tpu.memory_space<hbm>>) dst(%dma_wait3A_50 : memref<16x128xf32, #tpu.memory_space<vmem>>)
    "tpu.region"() ({
      %run_scoped3A = tpu.sem_alloc : memref<!tpu.dma_semaphore, #tpu.memory_space<semaphore_mem>>
      %dma_start3A_71 = arith.constant 0 : i32
      %dma_start3A_72 = arith.constant 0 : i32
      %dma_start3A_73 = tpu.memref_slice %arg8[%dma_start3A_71, %dma_start3A_72] : memref<128x128xf32, #tpu.memory_space<vmem>> -> memref<16x128xf32, #tpu.memory_space<vmem>>
      %dma_start3A_74 = arith.constant 0 : i32
      %dma_start3A_75 = arith.constant 0 : i32
      %dma_start3A_76 = tpu.memref_slice %arg10[%dma_start3A_74, %dma_start3A_75] : memref<10240x128xf32, #tpu.memory_space<vmem_shared>> -> memref<10240x128xf32, #tpu.memory_space<vmem_shared>>
      tpu.enqueue_indirect_dma source(%dma_start3A_73 : memref<16x128xf32, #tpu.memory_space<vmem>>) target(%dma_start3A_76 : memref<10240x128xf32, #tpu.memory_space<vmem_shared>>) offsets(%arg7 : memref<16xi32, #tpu.memory_space<vmem>>) semaphore(%run_scoped3A : memref<!tpu.dma_semaphore, #tpu.memory_space<semaphore_mem>>) {add = true}
      %dma_wait3A_77 = arith.constant 0 : i32
      %dma_wait3A_78 = arith.constant 0 : i32
      %dma_wait3A_79 = tpu.memref_slice %arg8[%dma_wait3A_77, %dma_wait3A_78] : memref<128x128xf32, #tpu.memory_space<vmem>> -> memref<16x128xf32, #tpu.memory_space<vmem>>
      %dma_wait3A_80 = arith.constant 0 : i32
      %dma_wait3A_81 = arith.constant 0 : i32
      %dma_wait3A_82 = tpu.memref_slice %arg10[%dma_wait3A_80, %dma_wait3A_81] : memref<10240x128xf32, #tpu.memory_space<vmem_shared>> -> memref<10240x128xf32, #tpu.memory_space<vmem_shared>>
      tpu.wait_indirect_dma semaphore(%run_scoped3A : memref<!tpu.dma_semaphore, #tpu.memory_space<semaphore_mem>>) src(%dma_wait3A_79 : memref<16x128xf32, #tpu.memory_space<vmem>>) dst(%dma_wait3A_82 : memref<10240x128xf32, #tpu.memory_space<vmem_shared>>)
      tpu.yield
    }) : () -> ()
    %barrier3A_56 = arith.constant 0 : index
    tpu.barrier barrier_id(%barrier3A_56)
    %mul3A_57 = arith.constant 640 : i32
    %mul3A_58 = arith.muli %arg1, %mul3A_57 : i32
    %add3A_59 = arith.constant 0 : i32
    %add3A_60 = arith.addi %mul3A_58, %add3A_59 : i32
    %dma_start3A_61 = arith.constant 0 : i32
    %dma_start3A_62 = tpu.memref_slice %arg10[%add3A_60, %dma_start3A_61] : memref<10240x128xf32, #tpu.memory_space<vmem_shared>> -> memref<128x128xf32, #tpu.memory_space<vmem_shared>>
    %dma_start3A_63 = arith.constant 0 : i32
    %dma_start3A_64 = tpu.memref_slice %arg10[%add3A_60, %dma_start3A_63] : memref<10240x128xf32, #tpu.memory_space<vmem_shared>> -> memref<128x128xf32, #tpu.memory_space<vmem_shared>>
    tpu.enqueue_dma source(%dma_start3A_64 : memref<128x128xf32, #tpu.memory_space<vmem_shared>>) target(%arg8 : memref<128x128xf32, #tpu.memory_space<vmem>>) target_semaphore(%arg11 : memref<!tpu.dma_semaphore, #tpu.memory_space<semaphore_mem>>)
    %scan3A_65 = arith.constant 0 : i32
    %scan3A_66 = arith.constant 0 : i32
    %scan3A_67 = arith.constant 3 : i32
    %scan3A_68 = arith.addi %scan3A_66, %scan3A_67 : i32
    %scan3A_69 = arith.constant 1 : i32
    scf.for %scan3A_71 = %scan3A_66 to %scan3A_68 step %scan3A_69  : i32 {
      %mul3A_72 = arith.constant 2 : i32
      %mul3A_73 = arith.muli %scan3A_71, %mul3A_72 : i32
      %add3A_74 = arith.constant 1 : i32
      %add3A_75 = arith.addi %mul3A_73, %add3A_74 : i32
      %lt3A = arith.constant 5 : i32
      %lt3A_76 = arith.cmpi slt, %add3A_75, %lt3A : i32
      %convert_element_type3A = arith.extui %lt3A_76 : i1 to i32
      %cond3A = arith.constant 0 : i32
      %cond3A_77 = arith.cmpi ne, %convert_element_type3A, %cond3A : i32
      scf.if %cond3A_77 {
        %mul3A_97 = arith.constant 640 : i32
        %mul3A_98 = arith.muli %arg1, %mul3A_97 : i32
        %mul3A_99 = arith.constant 128 : i32
        %mul3A_100 = arith.muli %add3A_75, %mul3A_99 : i32
        %add3A_101 = arith.addi %mul3A_98, %mul3A_100 : i32
        %dma_start3A_102 = arith.constant 0 : i32
        %dma_start3A_103 = tpu.memref_slice %arg10[%add3A_101, %dma_start3A_102] : memref<10240x128xf32, #tpu.memory_space<vmem_shared>> -> memref<128x128xf32, #tpu.memory_space<vmem_shared>>
        %dma_start3A_104 = arith.constant 0 : i32
        %dma_start3A_105 = tpu.memref_slice %arg10[%add3A_101, %dma_start3A_104] : memref<10240x128xf32, #tpu.memory_space<vmem_shared>> -> memref<128x128xf32, #tpu.memory_space<vmem_shared>>
        tpu.enqueue_dma source(%dma_start3A_105 : memref<128x128xf32, #tpu.memory_space<vmem_shared>>) target(%arg9 : memref<128x128xf32, #tpu.memory_space<vmem>>) target_semaphore(%arg12 : memref<!tpu.dma_semaphore, #tpu.memory_space<semaphore_mem>>)
      } else {
      }
      %dma_wait3A_78 = arith.constant 0 : i32
      %dma_wait3A_79 = arith.constant 0 : i32
      %dma_wait3A_80 = tpu.memref_slice %arg10[%dma_wait3A_78, %dma_wait3A_79] : memref<10240x128xf32, #tpu.memory_space<vmem_shared>> -> memref<128x128xf32, #tpu.memory_space<vmem_shared>>
      %dma_wait3A_81 = arith.constant 0 : i32
      %dma_wait3A_82 = arith.constant 0 : i32
      %dma_wait3A_83 = tpu.memref_slice %arg10[%dma_wait3A_81, %dma_wait3A_82] : memref<10240x128xf32, #tpu.memory_space<vmem_shared>> -> memref<128x128xf32, #tpu.memory_space<vmem_shared>>
      tpu.wait_dma2 semaphore(%arg11 : memref<!tpu.dma_semaphore, #tpu.memory_space<semaphore_mem>>) src(%dma_wait3A_83 : memref<128x128xf32, #tpu.memory_space<vmem_shared>>) dst(%arg8 : memref<128x128xf32, #tpu.memory_space<vmem>>)
      %mul3A_84 = arith.constant 10240 : i32
      %mul3A_85 = arith.muli %arg0, %mul3A_84 : i32
      %mul3A_86 = arith.constant 128 : i32
      %mul3A_87 = arith.muli %mul3A_73, %mul3A_86 : i32
      %add3A_88 = arith.addi %mul3A_85, %mul3A_87 : i32
      %mul3A_89 = arith.constant 640 : i32
      %mul3A_90 = arith.muli %arg1, %mul3A_89 : i32
      %add3A_91 = arith.addi %add3A_88, %mul3A_90 : i32
      "tpu.region"() ({
        %run_scoped3A = tpu.sem_alloc : memref<!tpu.dma_semaphore, #tpu.memory_space<semaphore_mem>>
        %dma_start3A_97 = arith.constant 0 : i32
        %dma_start3A_98 = tpu.memref_slice %arg4[%add3A_91, %dma_start3A_97] : memref<20480x128xf32, #tpu.memory_space<hbm>> -> memref<128x128xf32, #tpu.memory_space<hbm>>
        %dma_start3A_99 = arith.constant 0 : i32
        %dma_start3A_100 = tpu.memref_slice %arg4[%add3A_91, %dma_start3A_99] : memref<20480x128xf32, #tpu.memory_space<hbm>> -> memref<128x128xf32, #tpu.memory_space<hbm>>
        tpu.enqueue_dma source(%arg8 : memref<128x128xf32, #tpu.memory_space<vmem>>) target(%dma_start3A_100 : memref<128x128xf32, #tpu.memory_space<hbm>>) target_semaphore(%run_scoped3A : memref<!tpu.dma_semaphore, #tpu.memory_space<semaphore_mem>>)
        %dma_wait3A_101 = arith.constant 0 : i32
        %dma_wait3A_102 = tpu.memref_slice %arg4[%add3A_91, %dma_wait3A_101] : memref<20480x128xf32, #tpu.memory_space<hbm>> -> memref<128x128xf32, #tpu.memory_space<hbm>>
        %dma_wait3A_103 = arith.constant 0 : i32
        %dma_wait3A_104 = tpu.memref_slice %arg4[%add3A_91, %dma_wait3A_103] : memref<20480x128xf32, #tpu.memory_space<hbm>> -> memref<128x128xf32, #tpu.memory_space<hbm>>
        tpu.wait_dma2 semaphore(%run_scoped3A : memref<!tpu.dma_semaphore, #tpu.memory_space<semaphore_mem>>) src(%arg8 : memref<128x128xf32, #tpu.memory_space<vmem>>) dst(%dma_wait3A_104 : memref<128x128xf32, #tpu.memory_space<hbm>>)
        tpu.yield
      }) : () -> ()
      %lt3A_92 = arith.constant 5 : i32
      %lt3A_93 = arith.cmpi slt, %add3A_75, %lt3A_92 : i32
      %convert_element_type3A_94 = arith.extui %lt3A_93 : i1 to i32
      %cond3A_95 = arith.constant 0 : i32
      %cond3A_96 = arith.cmpi ne, %convert_element_type3A_94, %cond3A_95 : i32
      scf.if %cond3A_96 {
        %add3A_97 = arith.constant 1 : i32
        %add3A_98 = arith.addi %add3A_75, %add3A_97 : i32
        %lt3A_99 = arith.constant 5 : i32
        %lt3A_100 = arith.cmpi slt, %add3A_98, %lt3A_99 : i32
        %convert_element_type3A_101 = arith.extui %lt3A_100 : i1 to i32
        %cond3A_102 = arith.constant 0 : i32
        %cond3A_103 = arith.cmpi ne, %convert_element_type3A_101, %cond3A_102 : i32
        scf.if %cond3A_103 {
          %add3A_118 = arith.constant 1 : i32
          %add3A_119 = arith.addi %add3A_75, %add3A_118 : i32
          %mul3A_120 = arith.constant 640 : i32
          %mul3A_121 = arith.muli %arg1, %mul3A_120 : i32
          %mul3A_122 = arith.constant 128 : i32
          %mul3A_123 = arith.muli %add3A_119, %mul3A_122 : i32
          %add3A_124 = arith.addi %mul3A_121, %mul3A_123 : i32
          %dma_start3A_125 = arith.constant 0 : i32
          %dma_start3A_126 = tpu.memref_slice %arg10[%add3A_124, %dma_start3A_125] : memref<10240x128xf32, #tpu.memory_space<vmem_shared>> -> memref<128x128xf32, #tpu.memory_space<vmem_shared>>
          %dma_start3A_127 = arith.constant 0 : i32
          %dma_start3A_128 = tpu.memref_slice %arg10[%add3A_124, %dma_start3A_127] : memref<10240x128xf32, #tpu.memory_space<vmem_shared>> -> memref<128x128xf32, #tpu.memory_space<vmem_shared>>
          tpu.enqueue_dma source(%dma_start3A_128 : memref<128x128xf32, #tpu.memory_space<vmem_shared>>) target(%arg8 : memref<128x128xf32, #tpu.memory_space<vmem>>) target_semaphore(%arg11 : memref<!tpu.dma_semaphore, #tpu.memory_space<semaphore_mem>>)
        } else {
        }
        %dma_wait3A_104 = arith.constant 0 : i32
        %dma_wait3A_105 = arith.constant 0 : i32
        %dma_wait3A_106 = tpu.memref_slice %arg10[%dma_wait3A_104, %dma_wait3A_105] : memref<10240x128xf32, #tpu.memory_space<vmem_shared>> -> memref<128x128xf32, #tpu.memory_space<vmem_shared>>
        %dma_wait3A_107 = arith.constant 0 : i32
        %dma_wait3A_108 = arith.constant 0 : i32
        %dma_wait3A_109 = tpu.memref_slice %arg10[%dma_wait3A_107, %dma_wait3A_108] : memref<10240x128xf32, #tpu.memory_space<vmem_shared>> -> memref<128x128xf32, #tpu.memory_space<vmem_shared>>
        tpu.wait_dma2 semaphore(%arg12 : memref<!tpu.dma_semaphore, #tpu.memory_space<semaphore_mem>>) src(%dma_wait3A_109 : memref<128x128xf32, #tpu.memory_space<vmem_shared>>) dst(%arg9 : memref<128x128xf32, #tpu.memory_space<vmem>>)
        %mul3A_110 = arith.constant 10240 : i32
        %mul3A_111 = arith.muli %arg0, %mul3A_110 : i32
        %mul3A_112 = arith.constant 128 : i32
        %mul3A_113 = arith.muli %add3A_75, %mul3A_112 : i32
        %add3A_114 = arith.addi %mul3A_111, %mul3A_113 : i32
        %mul3A_115 = arith.constant 640 : i32
        %mul3A_116 = arith.muli %arg1, %mul3A_115 : i32
        %add3A_117 = arith.addi %add3A_114, %mul3A_116 : i32
        "tpu.region"() ({
          %run_scoped3A = tpu.sem_alloc : memref<!tpu.dma_semaphore, #tpu.memory_space<semaphore_mem>>
          %dma_start3A_118 = arith.constant 0 : i32
          %dma_start3A_119 = tpu.memref_slice %arg4[%add3A_117, %dma_start3A_118] : memref<20480x128xf32, #tpu.memory_space<hbm>> -> memref<128x128xf32, #tpu.memory_space<hbm>>
          %dma_start3A_120 = arith.constant 0 : i32
          %dma_start3A_121 = tpu.memref_slice %arg4[%add3A_117, %dma_start3A_120] : memref<20480x128xf32, #tpu.memory_space<hbm>> -> memref<128x128xf32, #tpu.memory_space<hbm>>
          tpu.enqueue_dma source(%arg9 : memref<128x128xf32, #tpu.memory_space<vmem>>) target(%dma_start3A_121 : memref<128x128xf32, #tpu.memory_space<hbm>>) target_semaphore(%run_scoped3A : memref<!tpu.dma_semaphore, #tpu.memory_space<semaphore_mem>>)
          %dma_wait3A_122 = arith.constant 0 : i32
          %dma_wait3A_123 = tpu.memref_slice %arg4[%add3A_117, %dma_wait3A_122] : memref<20480x128xf32, #tpu.memory_space<hbm>> -> memref<128x128xf32, #tpu.memory_space<hbm>>
          %dma_wait3A_124 = arith.constant 0 : i32
          %dma_wait3A_125 = tpu.memref_slice %arg4[%add3A_117, %dma_wait3A_124] : memref<20480x128xf32, #tpu.memory_space<hbm>> -> memref<128x128xf32, #tpu.memory_space<hbm>>
          tpu.wait_dma2 semaphore(%run_scoped3A : memref<!tpu.dma_semaphore, #tpu.memory_space<semaphore_mem>>) src(%arg9 : memref<128x128xf32, #tpu.memory_space<vmem>>) dst(%dma_wait3A_125 : memref<128x128xf32, #tpu.memory_space<hbm>>)
          tpu.yield
        }) : () -> ()
      } else {
      }
    }
    %scan3A_70 = arith.constant 3 : i32
    return
  }
}

#map = affine_map<(d0, d1) -> (0)>
module attributes {stable_mosaic.version = 14 : i64} {
  func.func @_k1_body(%arg0: i32, %arg1: i32, %arg2: memref<640000xi32, #tpu.memory_space<hbm>>, %arg3: memref<20480xf32, #tpu.memory_space<hbm>>, %arg4: memref<2x128xi32, #tpu.memory_space<vmem>>, %arg5: memref<16xi32, #tpu.memory_space<vmem>>, %arg6: memref<128xf32, #tpu.memory_space<vmem>>, %arg7: memref<640xf32, #tpu.memory_space<vmem>>, %arg8: memref<10240xf32, #tpu.memory_space<vmem_shared>>, %arg9: memref<!tpu.dma_semaphore, #tpu.memory_space<semaphore_mem>>, %arg10: memref<!tpu.dma_semaphore, #tpu.memory_space<semaphore_mem>>, %arg11: memref<!tpu.dma_semaphore, #tpu.memory_space<semaphore_mem>>, %arg12: memref<!tpu.dma_semaphore, #tpu.memory_space<semaphore_mem>>) attributes {dimension_semantics = [#tpu.dimension_semantics<core_parallel>, #tpu.dimension_semantics<subcore_parallel>], iteration_bounds = array<i64: 2, 16>, scalar_prefetch = 0 : i64, scratch_operands = 9 : i64, tpu.core_type = #tpu.core_type<sc_vector_subcore>, window_params = [{transform_indices = #map}, {transform_indices = #map}]} {
    %mul3A = arith.constant 16 : i32
    %mul3A_0 = arith.muli %arg0, %mul3A : i32
    %add3A = arith.addi %mul3A_0, %arg1 : i32
    %mul3A_1 = arith.constant 10000 : i32
    %mul3A_2 = arith.muli %add3A, %mul3A_1 : i32
    %broadcast_in_dim3A = arith.constant 1.000000e+00 : f32
    %broadcast_in_dim3A_3 = vector.broadcast %broadcast_in_dim3A : f32 to vector<16xf32>
    %swap3A = arith.constant 0 : index
    %swap3A_4 = tpu.vector_load %arg6[%swap3A] {strides = array<i32>} : memref<128xf32, #tpu.memory_space<vmem>>, vector<16xf32>,
    %swap3A_5 = vector.shape_cast %swap3A_4 : vector<16xf32> to vector<16xf32>
    %swap3A_6 = vector.shape_cast %broadcast_in_dim3A_3 : vector<16xf32> to vector<16xf32>
    tpu.vector_store %arg6[%swap3A], %swap3A_6 {strides = array<i32>} : memref<128xf32, #tpu.memory_space<vmem>>, vector<16xf32>,
    %broadcast_in_dim3A_7 = arith.constant 1.000000e+00 : f32
    %broadcast_in_dim3A_8 = vector.broadcast %broadcast_in_dim3A_7 : f32 to vector<16xf32>
    %swap3A_9 = arith.constant 16 : index
    %swap3A_10 = tpu.vector_load %arg6[%swap3A_9] {strides = array<i32>} : memref<128xf32, #tpu.memory_space<vmem>>, vector<16xf32>,
    %swap3A_11 = vector.shape_cast %swap3A_10 : vector<16xf32> to vector<16xf32>
    %swap3A_12 = vector.shape_cast %broadcast_in_dim3A_8 : vector<16xf32> to vector<16xf32>
    tpu.vector_store %arg6[%swap3A_9], %swap3A_12 {strides = array<i32>} : memref<128xf32, #tpu.memory_space<vmem>>, vector<16xf32>,
    %broadcast_in_dim3A_13 = arith.constant 1.000000e+00 : f32
    %broadcast_in_dim3A_14 = vector.broadcast %broadcast_in_dim3A_13 : f32 to vector<16xf32>
    %swap3A_15 = arith.constant 32 : index
    %swap3A_16 = tpu.vector_load %arg6[%swap3A_15] {strides = array<i32>} : memref<128xf32, #tpu.memory_space<vmem>>, vector<16xf32>,
    %swap3A_17 = vector.shape_cast %swap3A_16 : vector<16xf32> to vector<16xf32>
    %swap3A_18 = vector.shape_cast %broadcast_in_dim3A_14 : vector<16xf32> to vector<16xf32>
    tpu.vector_store %arg6[%swap3A_15], %swap3A_18 {strides = array<i32>} : memref<128xf32, #tpu.memory_space<vmem>>, vector<16xf32>,
    %broadcast_in_dim3A_19 = arith.constant 1.000000e+00 : f32
    %broadcast_in_dim3A_20 = vector.broadcast %broadcast_in_dim3A_19 : f32 to vector<16xf32>
    %swap3A_21 = arith.constant 48 : index
    %swap3A_22 = tpu.vector_load %arg6[%swap3A_21] {strides = array<i32>} : memref<128xf32, #tpu.memory_space<vmem>>, vector<16xf32>,
    %swap3A_23 = vector.shape_cast %swap3A_22 : vector<16xf32> to vector<16xf32>
    %swap3A_24 = vector.shape_cast %broadcast_in_dim3A_20 : vector<16xf32> to vector<16xf32>
    tpu.vector_store %arg6[%swap3A_21], %swap3A_24 {strides = array<i32>} : memref<128xf32, #tpu.memory_space<vmem>>, vector<16xf32>,
    %broadcast_in_dim3A_25 = arith.constant 1.000000e+00 : f32
    %broadcast_in_dim3A_26 = vector.broadcast %broadcast_in_dim3A_25 : f32 to vector<16xf32>
    %swap3A_27 = arith.constant 64 : index
    %swap3A_28 = tpu.vector_load %arg6[%swap3A_27] {strides = array<i32>} : memref<128xf32, #tpu.memory_space<vmem>>, vector<16xf32>,
    %swap3A_29 = vector.shape_cast %swap3A_28 : vector<16xf32> to vector<16xf32>
    %swap3A_30 = vector.shape_cast %broadcast_in_dim3A_26 : vector<16xf32> to vector<16xf32>
    tpu.vector_store %arg6[%swap3A_27], %swap3A_30 {strides = array<i32>} : memref<128xf32, #tpu.memory_space<vmem>>, vector<16xf32>,
    %broadcast_in_dim3A_31 = arith.constant 1.000000e+00 : f32
    %broadcast_in_dim3A_32 = vector.broadcast %broadcast_in_dim3A_31 : f32 to vector<16xf32>
    %swap3A_33 = arith.constant 80 : index
    %swap3A_34 = tpu.vector_load %arg6[%swap3A_33] {strides = array<i32>} : memref<128xf32, #tpu.memory_space<vmem>>, vector<16xf32>,
    %swap3A_35 = vector.shape_cast %swap3A_34 : vector<16xf32> to vector<16xf32>
    %swap3A_36 = vector.shape_cast %broadcast_in_dim3A_32 : vector<16xf32> to vector<16xf32>
    tpu.vector_store %arg6[%swap3A_33], %swap3A_36 {strides = array<i32>} : memref<128xf32, #tpu.memory_space<vmem>>, vector<16xf32>,
    %broadcast_in_dim3A_37 = arith.constant 1.000000e+00 : f32
    %broadcast_in_dim3A_38 = vector.broadcast %broadcast_in_dim3A_37 : f32 to vector<16xf32>
    %swap3A_39 = arith.constant 96 : index
    %swap3A_40 = tpu.vector_load %arg6[%swap3A_39] {strides = array<i32>} : memref<128xf32, #tpu.memory_space<vmem>>, vector<16xf32>,
    %swap3A_41 = vector.shape_cast %swap3A_40 : vector<16xf32> to vector<16xf32>
    %swap3A_42 = vector.shape_cast %broadcast_in_dim3A_38 : vector<16xf32> to vector<16xf32>
    tpu.vector_store %arg6[%swap3A_39], %swap3A_42 {strides = array<i32>} : memref<128xf32, #tpu.memory_space<vmem>>, vector<16xf32>,
    %broadcast_in_dim3A_43 = arith.constant 1.000000e+00 : f32
    %broadcast_in_dim3A_44 = vector.broadcast %broadcast_in_dim3A_43 : f32 to vector<16xf32>
    %swap3A_45 = arith.constant 112 : index
    %swap3A_46 = tpu.vector_load %arg6[%swap3A_45] {strides = array<i32>} : memref<128xf32, #tpu.memory_space<vmem>>, vector<16xf32>,
    %swap3A_47 = vector.shape_cast %swap3A_46 : vector<16xf32> to vector<16xf32>
    %swap3A_48 = vector.shape_cast %broadcast_in_dim3A_44 : vector<16xf32> to vector<16xf32>
    tpu.vector_store %arg6[%swap3A_45], %swap3A_48 {strides = array<i32>} : memref<128xf32, #tpu.memory_space<vmem>>, vector<16xf32>,
    %scan3A = arith.constant 0 : i32
    %scan3A_49 = arith.constant 0 : i32
    %scan3A_50 = arith.constant 40 : i32
    %scan3A_51 = arith.addi %scan3A_49, %scan3A_50 : i32
    %scan3A_52 = arith.constant 1 : i32
    scf.for %scan3A_97 = %scan3A_49 to %scan3A_51 step %scan3A_52  : i32 {
      %broadcast_in_dim3A_98 = arith.constant 0.000000e+00 : f32
      %broadcast_in_dim3A_99 = vector.broadcast %broadcast_in_dim3A_98 : f32 to vector<16xf32>
      %mul3A_100 = arith.constant 16 : i32
      %mul3A_101 = arith.muli %scan3A_97, %mul3A_100 : i32
      %swap3A_102 = arith.index_cast %mul3A_101 : i32 to index
      %swap3A_103 = tpu.vector_load %arg7[%swap3A_102] {strides = array<i32>} : memref<640xf32, #tpu.memory_space<vmem>>, vector<16xf32>,
      %swap3A_104 = vector.shape_cast %swap3A_103 : vector<16xf32> to vector<16xf32>
      %swap3A_105 = vector.shape_cast %broadcast_in_dim3A_99 : vector<16xf32> to vector<16xf32>
      tpu.vector_store %arg7[%swap3A_102], %swap3A_105 {strides = array<i32>} : memref<640xf32, #tpu.memory_space<vmem>>, vector<16xf32>,
    }
    %scan3A_53 = arith.constant 40 : i32
    %mul3A_54 = arith.constant 640 : i32
    %mul3A_55 = arith.muli %arg1, %mul3A_54 : i32
    "tpu.region"() ({
      %run_scoped3A = tpu.sem_alloc : memref<!tpu.dma_semaphore, #tpu.memory_space<semaphore_mem>>
      %dma_start3A_97 = tpu.memref_slice %arg8[%mul3A_55] : memref<10240xf32, #tpu.memory_space<vmem_shared>> -> memref<640xf32, #tpu.memory_space<vmem_shared>>
      %dma_start3A_98 = tpu.memref_slice %arg8[%mul3A_55] : memref<10240xf32, #tpu.memory_space<vmem_shared>> -> memref<640xf32, #tpu.memory_space<vmem_shared>>
      tpu.enqueue_dma source(%arg7 : memref<640xf32, #tpu.memory_space<vmem>>) target(%dma_start3A_98 : memref<640xf32, #tpu.memory_space<vmem_shared>>) target_semaphore(%run_scoped3A : memref<!tpu.dma_semaphore, #tpu.memory_space<semaphore_mem>>)
      %dma_wait3A_99 = tpu.memref_slice %arg8[%mul3A_55] : memref<10240xf32, #tpu.memory_space<vmem_shared>> -> memref<640xf32, #tpu.memory_space<vmem_shared>>
      %dma_wait3A_100 = tpu.memref_slice %arg8[%mul3A_55] : memref<10240xf32, #tpu.memory_space<vmem_shared>> -> memref<640xf32, #tpu.memory_space<vmem_shared>>
      tpu.wait_dma2 semaphore(%run_scoped3A : memref<!tpu.dma_semaphore, #tpu.memory_space<semaphore_mem>>) src(%arg7 : memref<640xf32, #tpu.memory_space<vmem>>) dst(%dma_wait3A_100 : memref<640xf32, #tpu.memory_space<vmem_shared>>)
      tpu.yield
    }) : () -> ()
    %barrier3A = arith.constant 0 : index
    tpu.barrier barrier_id(%barrier3A)
    %add3A_56 = arith.constant 320000 : i32
    %add3A_57 = arith.addi %add3A_56, %mul3A_2 : i32
    %add3A_58 = arith.constant 0 : i32
    %add3A_59 = arith.addi %add3A_57, %add3A_58 : i32
    %dma_start3A = arith.constant 0 : i32
    %dma_start3A_60 = arith.constant 0 : i32
    %dma_start3A_61 = tpu.memref_slice %arg4[%dma_start3A, %dma_start3A_60] : memref<2x128xi32, #tpu.memory_space<vmem>> -> memref<1x128xi32, #tpu.memory_space<vmem>>
    %dma_start3A_62 = tpu.memref_squeeze %dma_start3A_61 : memref<1x128xi32, #tpu.memory_space<vmem>> -> memref<128xi32, #tpu.memory_space<vmem>>
    %dma_start3A_63 = tpu.memref_slice %arg2[%add3A_59] : memref<640000xi32, #tpu.memory_space<hbm>> -> memref<128xi32, #tpu.memory_space<hbm>>
    %dma_start3A_64 = arith.constant 0 : i32
    %dma_start3A_65 = tpu.memref_slice %arg4[%dma_start3A, %dma_start3A_64] : memref<2x128xi32, #tpu.memory_space<vmem>> -> memref<1x128xi32, #tpu.memory_space<vmem>>
    %dma_start3A_66 = tpu.memref_squeeze %dma_start3A_65 : memref<1x128xi32, #tpu.memory_space<vmem>> -> memref<128xi32, #tpu.memory_space<vmem>>
    %dma_start3A_67 = tpu.memref_slice %arg2[%add3A_59] : memref<640000xi32, #tpu.memory_space<hbm>> -> memref<128xi32, #tpu.memory_space<hbm>>
    tpu.enqueue_dma source(%dma_start3A_67 : memref<128xi32, #tpu.memory_space<hbm>>) target(%dma_start3A_66 : memref<128xi32, #tpu.memory_space<vmem>>) target_semaphore(%arg9 : memref<!tpu.dma_semaphore, #tpu.memory_space<semaphore_mem>>)
    %scan3A_68 = arith.constant 0 : i32
    %scan3A_69 = arith.constant 0 : i32
    %scan3A_70 = arith.constant 39 : i32
    %scan3A_71 = arith.addi %scan3A_69, %scan3A_70 : i32
    %scan3A_72 = arith.constant 1 : i32
    scf.for %scan3A_97 = %scan3A_69 to %scan3A_71 step %scan3A_72  : i32 {
      %mul3A_98 = arith.constant 2 : i32
      %mul3A_99 = arith.muli %scan3A_97, %mul3A_98 : i32
      %add3A_100 = arith.constant 1 : i32
      %add3A_101 = arith.addi %mul3A_99, %add3A_100 : i32
      %lt3A = arith.constant 78 : i32
      %lt3A_102 = arith.cmpi slt, %add3A_101, %lt3A : i32
      %convert_element_type3A = arith.extui %lt3A_102 : i1 to i32
      %cond3A = arith.constant 0 : i32
      %cond3A_103 = arith.cmpi ne, %convert_element_type3A, %cond3A : i32
      scf.if %cond3A_103 {
        %gt3A = arith.constant 0 : i32
        %gt3A_126 = arith.cmpi sgt, %scan3A_97, %gt3A : i32
        %convert_element_type3A_127 = arith.extui %gt3A_126 : i1 to i32
        %cond3A_128 = arith.constant 0 : i32
        %cond3A_129 = arith.cmpi ne, %convert_element_type3A_127, %cond3A_128 : i32
        scf.if %cond3A_129 {
          %dma_wait3A_144 = arith.constant 1 : i32
          %dma_wait3A_145 = arith.constant 0 : i32
          %dma_wait3A_146 = tpu.memref_slice %arg4[%dma_wait3A_144, %dma_wait3A_145] : memref<2x128xi32, #tpu.memory_space<vmem>> -> memref<1x128xi32, #tpu.memory_space<vmem>>
          %dma_wait3A_147 = tpu.memref_squeeze %dma_wait3A_146 : memref<1x128xi32, #tpu.memory_space<vmem>> -> memref<128xi32, #tpu.memory_space<vmem>>
          %dma_wait3A_148 = arith.constant 0 : i32
          %dma_wait3A_149 = tpu.memref_slice %arg8[%dma_wait3A_148] : memref<10240xf32, #tpu.memory_space<vmem_shared>> -> memref<10240xf32, #tpu.memory_space<vmem_shared>>
          tpu.wait_indirect_dma semaphore(%arg12 : memref<!tpu.dma_semaphore, #tpu.memory_space<semaphore_mem>>) src(%arg6 : memref<128xf32, #tpu.memory_space<vmem>>) dst(%dma_wait3A_149 : memref<10240xf32, #tpu.memory_space<vmem_shared>>)
        } else {
        }
        %add3A_130 = arith.constant 320000 : i32
        %add3A_131 = arith.addi %add3A_130, %mul3A_2 : i32
        %mul3A_132 = arith.constant 128 : i32
        %mul3A_133 = arith.muli %add3A_101, %mul3A_132 : i32
        %add3A_134 = arith.addi %add3A_131, %mul3A_133 : i32
        %dma_start3A_135 = arith.constant 1 : i32
        %dma_start3A_136 = arith.constant 0 : i32
        %dma_start3A_137 = tpu.memref_slice %arg4[%dma_start3A_135, %dma_start3A_136] : memref<2x128xi32, #tpu.memory_space<vmem>> -> memref<1x128xi32, #tpu.memory_space<vmem>>
        %dma_start3A_138 = tpu.memref_squeeze %dma_start3A_137 : memref<1x128xi32, #tpu.memory_space<vmem>> -> memref<128xi32, #tpu.memory_space<vmem>>
        %dma_start3A_139 = tpu.memref_slice %arg2[%add3A_134] : memref<640000xi32, #tpu.memory_space<hbm>> -> memref<128xi32, #tpu.memory_space<hbm>>
        %dma_start3A_140 = arith.constant 0 : i32
        %dma_start3A_141 = tpu.memref_slice %arg4[%dma_start3A_135, %dma_start3A_140] : memref<2x128xi32, #tpu.memory_space<vmem>> -> memref<1x128xi32, #tpu.memory_space<vmem>>
        %dma_start3A_142 = tpu.memref_squeeze %dma_start3A_141 : memref<1x128xi32, #tpu.memory_space<vmem>> -> memref<128xi32, #tpu.memory_space<vmem>>
        %dma_start3A_143 = tpu.memref_slice %arg2[%add3A_134] : memref<640000xi32, #tpu.memory_space<hbm>> -> memref<128xi32, #tpu.memory_space<hbm>>
        tpu.enqueue_dma source(%dma_start3A_143 : memref<128xi32, #tpu.memory_space<hbm>>) target(%dma_start3A_142 : memref<128xi32, #tpu.memory_space<vmem>>) target_semaphore(%arg10 : memref<!tpu.dma_semaphore, #tpu.memory_space<semaphore_mem>>)
      } else {
      }
      %dma_wait3A_104 = arith.constant 0 : i32
      %dma_wait3A_105 = arith.constant 0 : i32
      %dma_wait3A_106 = tpu.memref_slice %arg4[%dma_wait3A_104, %dma_wait3A_105] : memref<2x128xi32, #tpu.memory_space<vmem>> -> memref<1x128xi32, #tpu.memory_space<vmem>>
      %dma_wait3A_107 = tpu.memref_squeeze %dma_wait3A_106 : memref<1x128xi32, #tpu.memory_space<vmem>> -> memref<128xi32, #tpu.memory_space<vmem>>
      %dma_wait3A_108 = arith.constant 0 : i32
      %dma_wait3A_109 = tpu.memref_slice %arg2[%dma_wait3A_108] : memref<640000xi32, #tpu.memory_space<hbm>> -> memref<128xi32, #tpu.memory_space<hbm>>
      %dma_wait3A_110 = arith.constant 0 : i32
      %dma_wait3A_111 = tpu.memref_slice %arg4[%dma_wait3A_104, %dma_wait3A_110] : memref<2x128xi32, #tpu.memory_space<vmem>> -> memref<1x128xi32, #tpu.memory_space<vmem>>
      %dma_wait3A_112 = tpu.memref_squeeze %dma_wait3A_111 : memref<1x128xi32, #tpu.memory_space<vmem>> -> memref<128xi32, #tpu.memory_space<vmem>>
      %dma_wait3A_113 = arith.constant 0 : i32
      %dma_wait3A_114 = tpu.memref_slice %arg2[%dma_wait3A_113] : memref<640000xi32, #tpu.memory_space<hbm>> -> memref<128xi32, #tpu.memory_space<hbm>>
      tpu.wait_dma2 semaphore(%arg9 : memref<!tpu.dma_semaphore, #tpu.memory_space<semaphore_mem>>) src(%dma_wait3A_114 : memref<128xi32, #tpu.memory_space<hbm>>) dst(%dma_wait3A_112 : memref<128xi32, #tpu.memory_space<vmem>>)
      %dma_start3A_115 = arith.constant 0 : i32
      %dma_start3A_116 = arith.constant 0 : i32
      %dma_start3A_117 = tpu.memref_slice %arg4[%dma_start3A_115, %dma_start3A_116] : memref<2x128xi32, #tpu.memory_space<vmem>> -> memref<1x128xi32, #tpu.memory_space<vmem>>
      %dma_start3A_118 = tpu.memref_squeeze %dma_start3A_117 : memref<1x128xi32, #tpu.memory_space<vmem>> -> memref<128xi32, #tpu.memory_space<vmem>>
      %dma_start3A_119 = arith.constant 0 : i32
      %dma_start3A_120 = tpu.memref_slice %arg8[%dma_start3A_119] : memref<10240xf32, #tpu.memory_space<vmem_shared>> -> memref<10240xf32, #tpu.memory_space<vmem_shared>>
      tpu.enqueue_indirect_dma source(%arg6 : memref<128xf32, #tpu.memory_space<vmem>>) target(%dma_start3A_120 : memref<10240xf32, #tpu.memory_space<vmem_shared>>) offsets(%dma_start3A_118 : memref<128xi32, #tpu.memory_space<vmem>>) semaphore(%arg11 : memref<!tpu.dma_semaphore, #tpu.memory_space<semaphore_mem>>) {add = true}
      %lt3A_121 = arith.constant 78 : i32
      %lt3A_122 = arith.cmpi slt, %add3A_101, %lt3A_121 : i32
      %convert_element_type3A_123 = arith.extui %lt3A_122 : i1 to i32
      %cond3A_124 = arith.constant 0 : i32
      %cond3A_125 = arith.cmpi ne, %convert_element_type3A_123, %cond3A_124 : i32
      scf.if %cond3A_125 {
        %add3A_126 = arith.constant 1 : i32
        %add3A_127 = arith.addi %add3A_101, %add3A_126 : i32
        %lt3A_128 = arith.constant 78 : i32
        %lt3A_129 = arith.cmpi slt, %add3A_127, %lt3A_128 : i32
        %convert_element_type3A_130 = arith.extui %lt3A_129 : i1 to i32
        %cond3A_131 = arith.constant 0 : i32
        %cond3A_132 = arith.cmpi ne, %convert_element_type3A_130, %cond3A_131 : i32
        scf.if %cond3A_132 {
          %dma_wait3A_150 = arith.constant 0 : i32
          %dma_wait3A_151 = arith.constant 0 : i32
          %dma_wait3A_152 = tpu.memref_slice %arg4[%dma_wait3A_150, %dma_wait3A_151] : memref<2x128xi32, #tpu.memory_space<vmem>> -> memref<1x128xi32, #tpu.memory_space<vmem>>
          %dma_wait3A_153 = tpu.memref_squeeze %dma_wait3A_152 : memref<1x128xi32, #tpu.memory_space<vmem>> -> memref<128xi32, #tpu.memory_space<vmem>>
          %dma_wait3A_154 = arith.constant 0 : i32
          %dma_wait3A_155 = tpu.memref_slice %arg8[%dma_wait3A_154] : memref<10240xf32, #tpu.memory_space<vmem_shared>> -> memref<10240xf32, #tpu.memory_space<vmem_shared>>
          tpu.wait_indirect_dma semaphore(%arg11 : memref<!tpu.dma_semaphore, #tpu.memory_space<semaphore_mem>>) src(%arg6 : memref<128xf32, #tpu.memory_space<vmem>>) dst(%dma_wait3A_155 : memref<10240xf32, #tpu.memory_space<vmem_shared>>)
          %add3A_156 = arith.constant 1 : i32
          %add3A_157 = arith.addi %add3A_101, %add3A_156 : i32
          %add3A_158 = arith.constant 320000 : i32
          %add3A_159 = arith.addi %add3A_158, %mul3A_2 : i32
          %mul3A_160 = arith.constant 128 : i32
          %mul3A_161 = arith.muli %add3A_157, %mul3A_160 : i32
          %add3A_162 = arith.addi %add3A_159, %mul3A_161 : i32
          %dma_start3A_163 = arith.constant 0 : i32
          %dma_start3A_164 = arith.constant 0 : i32
          %dma_start3A_165 = tpu.memref_slice %arg4[%dma_start3A_163, %dma_start3A_164] : memref<2x128xi32, #tpu.memory_space<vmem>> -> memref<1x128xi32, #tpu.memory_space<vmem>>
          %dma_start3A_166 = tpu.memref_squeeze %dma_start3A_165 : memref<1x128xi32, #tpu.memory_space<vmem>> -> memref<128xi32, #tpu.memory_space<vmem>>
          %dma_start3A_167 = tpu.memref_slice %arg2[%add3A_162] : memref<640000xi32, #tpu.memory_space<hbm>> -> memref<128xi32, #tpu.memory_space<hbm>>
          %dma_start3A_168 = arith.constant 0 : i32
          %dma_start3A_169 = tpu.memref_slice %arg4[%dma_start3A_163, %dma_start3A_168] : memref<2x128xi32, #tpu.memory_space<vmem>> -> memref<1x128xi32, #tpu.memory_space<vmem>>
          %dma_start3A_170 = tpu.memref_squeeze %dma_start3A_169 : memref<1x128xi32, #tpu.memory_space<vmem>> -> memref<128xi32, #tpu.memory_space<vmem>>
          %dma_start3A_171 = tpu.memref_slice %arg2[%add3A_162] : memref<640000xi32, #tpu.memory_space<hbm>> -> memref<128xi32, #tpu.memory_space<hbm>>
          tpu.enqueue_dma source(%dma_start3A_171 : memref<128xi32, #tpu.memory_space<hbm>>) target(%dma_start3A_170 : memref<128xi32, #tpu.memory_space<vmem>>) target_semaphore(%arg9 : memref<!tpu.dma_semaphore, #tpu.memory_space<semaphore_mem>>)
        } else {
        }
        %dma_wait3A_133 = arith.constant 1 : i32
        %dma_wait3A_134 = arith.constant 0 : i32
        %dma_wait3A_135 = tpu.memref_slice %arg4[%dma_wait3A_133, %dma_wait3A_134] : memref<2x128xi32, #tpu.memory_space<vmem>> -> memref<1x128xi32, #tpu.memory_space<vmem>>
        %dma_wait3A_136 = tpu.memref_squeeze %dma_wait3A_135 : memref<1x128xi32, #tpu.memory_space<vmem>> -> memref<128xi32, #tpu.memory_space<vmem>>
        %dma_wait3A_137 = arith.constant 0 : i32
        %dma_wait3A_138 = tpu.memref_slice %arg2[%dma_wait3A_137] : memref<640000xi32, #tpu.memory_space<hbm>> -> memref<128xi32, #tpu.memory_space<hbm>>
        %dma_wait3A_139 = arith.constant 0 : i32
        %dma_wait3A_140 = tpu.memref_slice %arg4[%dma_wait3A_133, %dma_wait3A_139] : memref<2x128xi32, #tpu.memory_space<vmem>> -> memref<1x128xi32, #tpu.memory_space<vmem>>
        %dma_wait3A_141 = tpu.memref_squeeze %dma_wait3A_140 : memref<1x128xi32, #tpu.memory_space<vmem>> -> memref<128xi32, #tpu.memory_space<vmem>>
        %dma_wait3A_142 = arith.constant 0 : i32
        %dma_wait3A_143 = tpu.memref_slice %arg2[%dma_wait3A_142] : memref<640000xi32, #tpu.memory_space<hbm>> -> memref<128xi32, #tpu.memory_space<hbm>>
        tpu.wait_dma2 semaphore(%arg10 : memref<!tpu.dma_semaphore, #tpu.memory_space<semaphore_mem>>) src(%dma_wait3A_143 : memref<128xi32, #tpu.memory_space<hbm>>) dst(%dma_wait3A_141 : memref<128xi32, #tpu.memory_space<vmem>>)
        %dma_start3A_144 = arith.constant 1 : i32
        %dma_start3A_145 = arith.constant 0 : i32
        %dma_start3A_146 = tpu.memref_slice %arg4[%dma_start3A_144, %dma_start3A_145] : memref<2x128xi32, #tpu.memory_space<vmem>> -> memref<1x128xi32, #tpu.memory_space<vmem>>
        %dma_start3A_147 = tpu.memref_squeeze %dma_start3A_146 : memref<1x128xi32, #tpu.memory_space<vmem>> -> memref<128xi32, #tpu.memory_space<vmem>>
        %dma_start3A_148 = arith.constant 0 : i32
        %dma_start3A_149 = tpu.memref_slice %arg8[%dma_start3A_148] : memref<10240xf32, #tpu.memory_space<vmem_shared>> -> memref<10240xf32, #tpu.memory_space<vmem_shared>>
        tpu.enqueue_indirect_dma source(%arg6 : memref<128xf32, #tpu.memory_space<vmem>>) target(%dma_start3A_149 : memref<10240xf32, #tpu.memory_space<vmem_shared>>) offsets(%dma_start3A_147 : memref<128xi32, #tpu.memory_space<vmem>>) semaphore(%arg12 : memref<!tpu.dma_semaphore, #tpu.memory_space<semaphore_mem>>) {add = true}
      } else {
      }
    }
    %scan3A_73 = arith.constant 39 : i32
    %dma_wait3A = arith.constant 0 : i32
    %dma_wait3A_74 = arith.constant 0 : i32
    %dma_wait3A_75 = tpu.memref_slice %arg4[%dma_wait3A, %dma_wait3A_74] : memref<2x128xi32, #tpu.memory_space<vmem>> -> memref<1x128xi32, #tpu.memory_space<vmem>>
    %dma_wait3A_76 = tpu.memref_squeeze %dma_wait3A_75 : memref<1x128xi32, #tpu.memory_space<vmem>> -> memref<128xi32, #tpu.memory_space<vmem>>
    %dma_wait3A_77 = arith.constant 0 : i32
    %dma_wait3A_78 = tpu.memref_slice %arg8[%dma_wait3A_77] : memref<10240xf32, #tpu.memory_space<vmem_shared>> -> memref<10240xf32, #tpu.memory_space<vmem_shared>>
    tpu.wait_indirect_dma semaphore(%arg11 : memref<!tpu.dma_semaphore, #tpu.memory_space<semaphore_mem>>) src(%arg6 : memref<128xf32, #tpu.memory_space<vmem>>) dst(%dma_wait3A_78 : memref<10240xf32, #tpu.memory_space<vmem_shared>>)
    %dma_wait3A_79 = arith.constant 1 : i32
    %dma_wait3A_80 = arith.constant 0 : i32
    %dma_wait3A_81 = tpu.memref_slice %arg4[%dma_wait3A_79, %dma_wait3A_80] : memref<2x128xi32, #tpu.memory_space<vmem>> -> memref<1x128xi32, #tpu.memory_space<vmem>>
    %dma_wait3A_82 = tpu.memref_squeeze %dma_wait3A_81 : memref<1x128xi32, #tpu.memory_space<vmem>> -> memref<128xi32, #tpu.memory_space<vmem>>
    %dma_wait3A_83 = arith.constant 0 : i32
    %dma_wait3A_84 = tpu.memref_slice %arg8[%dma_wait3A_83] : memref<10240xf32, #tpu.memory_space<vmem_shared>> -> memref<10240xf32, #tpu.memory_space<vmem_shared>>
    tpu.wait_indirect_dma semaphore(%arg12 : memref<!tpu.dma_semaphore, #tpu.memory_space<semaphore_mem>>) src(%arg6 : memref<128xf32, #tpu.memory_space<vmem>>) dst(%dma_wait3A_84 : memref<10240xf32, #tpu.memory_space<vmem_shared>>)
    %add3A_85 = arith.constant 320000 : i32
    %add3A_86 = arith.addi %add3A_85, %mul3A_2 : i32
    %add3A_87 = arith.constant 9984 : i32
    %add3A_88 = arith.addi %add3A_86, %add3A_87 : i32
    "tpu.region"() ({
      %run_scoped3A = tpu.sem_alloc : memref<!tpu.dma_semaphore, #tpu.memory_space<semaphore_mem>>
      %dma_start3A_97 = tpu.memref_slice %arg2[%add3A_88] : memref<640000xi32, #tpu.memory_space<hbm>> -> memref<16xi32, #tpu.memory_space<hbm>>
      %dma_start3A_98 = tpu.memref_slice %arg2[%add3A_88] : memref<640000xi32, #tpu.memory_space<hbm>> -> memref<16xi32, #tpu.memory_space<hbm>>
      tpu.enqueue_dma source(%dma_start3A_98 : memref<16xi32, #tpu.memory_space<hbm>>) target(%arg5 : memref<16xi32, #tpu.memory_space<vmem>>) target_semaphore(%run_scoped3A : memref<!tpu.dma_semaphore, #tpu.memory_space<semaphore_mem>>)
      %dma_wait3A_99 = tpu.memref_slice %arg2[%add3A_88] : memref<640000xi32, #tpu.memory_space<hbm>> -> memref<16xi32, #tpu.memory_space<hbm>>
      %dma_wait3A_100 = tpu.memref_slice %arg2[%add3A_88] : memref<640000xi32, #tpu.memory_space<hbm>> -> memref<16xi32, #tpu.memory_space<hbm>>
      tpu.wait_dma2 semaphore(%run_scoped3A : memref<!tpu.dma_semaphore, #tpu.memory_space<semaphore_mem>>) src(%dma_wait3A_100 : memref<16xi32, #tpu.memory_space<hbm>>) dst(%arg5 : memref<16xi32, #tpu.memory_space<vmem>>)
      tpu.yield
    }) : () -> ()
    "tpu.region"() ({
      %run_scoped3A = tpu.sem_alloc : memref<!tpu.dma_semaphore, #tpu.memory_space<semaphore_mem>>
      %dma_start3A_97 = arith.constant 0 : i32
      %dma_start3A_98 = tpu.memref_slice %arg6[%dma_start3A_97] : memref<128xf32, #tpu.memory_space<vmem>> -> memref<16xf32, #tpu.memory_space<vmem>>
      %dma_start3A_99 = arith.constant 0 : i32
      %dma_start3A_100 = tpu.memref_slice %arg8[%dma_start3A_99] : memref<10240xf32, #tpu.memory_space<vmem_shared>> -> memref<10240xf32, #tpu.memory_space<vmem_shared>>
      tpu.enqueue_indirect_dma source(%dma_start3A_98 : memref<16xf32, #tpu.memory_space<vmem>>) target(%dma_start3A_100 : memref<10240xf32, #tpu.memory_space<vmem_shared>>) offsets(%arg5 : memref<16xi32, #tpu.memory_space<vmem>>) semaphore(%run_scoped3A : memref<!tpu.dma_semaphore, #tpu.memory_space<semaphore_mem>>) {add = true}
      %dma_wait3A_101 = arith.constant 0 : i32
      %dma_wait3A_102 = tpu.memref_slice %arg6[%dma_wait3A_101] : memref<128xf32, #tpu.memory_space<vmem>> -> memref<16xf32, #tpu.memory_space<vmem>>
      %dma_wait3A_103 = arith.constant 0 : i32
      %dma_wait3A_104 = tpu.memref_slice %arg8[%dma_wait3A_103] : memref<10240xf32, #tpu.memory_space<vmem_shared>> -> memref<10240xf32, #tpu.memory_space<vmem_shared>>
      tpu.wait_indirect_dma semaphore(%run_scoped3A : memref<!tpu.dma_semaphore, #tpu.memory_space<semaphore_mem>>) src(%dma_wait3A_102 : memref<16xf32, #tpu.memory_space<vmem>>) dst(%dma_wait3A_104 : memref<10240xf32, #tpu.memory_space<vmem_shared>>)
      tpu.yield
    }) : () -> ()
    %barrier3A_89 = arith.constant 0 : index
    tpu.barrier barrier_id(%barrier3A_89)
    %mul3A_90 = arith.constant 640 : i32
    %mul3A_91 = arith.muli %arg1, %mul3A_90 : i32
    "tpu.region"() ({
      %run_scoped3A = tpu.sem_alloc : memref<!tpu.dma_semaphore, #tpu.memory_space<semaphore_mem>>
      %dma_start3A_97 = tpu.memref_slice %arg8[%mul3A_91] : memref<10240xf32, #tpu.memory_space<vmem_shared>> -> memref<640xf32, #tpu.memory_space<vmem_shared>>
      %dma_start3A_98 = tpu.memref_slice %arg8[%mul3A_91] : memref<10240xf32, #tpu.memory_space<vmem_shared>> -> memref<640xf32, #tpu.memory_space<vmem_shared>>
      tpu.enqueue_dma source(%dma_start3A_98 : memref<640xf32, #tpu.memory_space<vmem_shared>>) target(%arg7 : memref<640xf32, #tpu.memory_space<vmem>>) target_semaphore(%run_scoped3A : memref<!tpu.dma_semaphore, #tpu.memory_space<semaphore_mem>>)
      %dma_wait3A_99 = tpu.memref_slice %arg8[%mul3A_91] : memref<10240xf32, #tpu.memory_space<vmem_shared>> -> memref<640xf32, #tpu.memory_space<vmem_shared>>
      %dma_wait3A_100 = tpu.memref_slice %arg8[%mul3A_91] : memref<10240xf32, #tpu.memory_space<vmem_shared>> -> memref<640xf32, #tpu.memory_space<vmem_shared>>
      tpu.wait_dma2 semaphore(%run_scoped3A : memref<!tpu.dma_semaphore, #tpu.memory_space<semaphore_mem>>) src(%dma_wait3A_100 : memref<640xf32, #tpu.memory_space<vmem_shared>>) dst(%arg7 : memref<640xf32, #tpu.memory_space<vmem>>)
      tpu.yield
    }) : () -> ()
    %mul3A_92 = arith.constant 10240 : i32
    %mul3A_93 = arith.muli %arg0, %mul3A_92 : i32
    %mul3A_94 = arith.constant 640 : i32
    %mul3A_95 = arith.muli %arg1, %mul3A_94 : i32
    %add3A_96 = arith.addi %mul3A_93, %mul3A_95 : i32
    "tpu.region"() ({
      %run_scoped3A = tpu.sem_alloc : memref<!tpu.dma_semaphore, #tpu.memory_space<semaphore_mem>>
      %dma_start3A_97 = tpu.memref_slice %arg3[%add3A_96] : memref<20480xf32, #tpu.memory_space<hbm>> -> memref<640xf32, #tpu.memory_space<hbm>>
      %dma_start3A_98 = tpu.memref_slice %arg3[%add3A_96] : memref<20480xf32, #tpu.memory_space<hbm>> -> memref<640xf32, #tpu.memory_space<hbm>>
      tpu.enqueue_dma source(%arg7 : memref<640xf32, #tpu.memory_space<vmem>>) target(%dma_start3A_98 : memref<640xf32, #tpu.memory_space<hbm>>) target_semaphore(%run_scoped3A : memref<!tpu.dma_semaphore, #tpu.memory_space<semaphore_mem>>)
      %dma_wait3A_99 = tpu.memref_slice %arg3[%add3A_96] : memref<20480xf32, #tpu.memory_space<hbm>> -> memref<640xf32, #tpu.memory_space<hbm>>
      %dma_wait3A_100 = tpu.memref_slice %arg3[%add3A_96] : memref<20480xf32, #tpu.memory_space<hbm>> -> memref<640xf32, #tpu.memory_space<hbm>>
      tpu.wait_dma2 semaphore(%run_scoped3A : memref<!tpu.dma_semaphore, #tpu.memory_space<semaphore_mem>>) src(%arg7 : memref<640xf32, #tpu.memory_space<vmem>>) dst(%dma_wait3A_100 : memref<640xf32, #tpu.memory_space<hbm>>)
      tpu.yield
    }) : () -> ()
    return
  }
}

module attributes {stable_mosaic.version = 14 : i64} {
  func.func @_k2a_body(%arg0: i32, %arg1: memref<2000x128xf32, #tpu.memory_space<vmem>>, %arg2: memref<128x128xf32, #tpu.memory_space<vmem>>, %arg3: memref<2000x128xf32, #tpu.memory_space<vmem>>) attributes {dimension_semantics = [#tpu.dimension_semantics<arbitrary>], iteration_bounds = array<i64: 5>, scalar_prefetch = 0 : i64, scratch_operands = 0 : i64, tpu.core_type = #tpu.core_type<tc>, window_params = [{transform_indices = @transform_0, window_bounds = array<i64: 2000, 128>}, {pipeline_mode = #tpu.pipeline_mode<synchronous>, transform_indices = @transform_1, window_bounds = array<i64: 128, 128>}, {transform_indices = @transform_2, window_bounds = array<i64: 2000, 128>}]} {
    %get3A = arith.constant 0 : index
    %get3A_0 = arith.constant 0 : index
    %get3A_1 = vector.load %arg1[%get3A, %get3A_0] : memref<2000x128xf32, #tpu.memory_space<vmem>>, vector<2000x128xf32>
    %get3A_2 = arith.constant 0 : index
    %get3A_3 = arith.constant 0 : index
    %get3A_4 = vector.load %arg2[%get3A_2, %get3A_3] : memref<128x128xf32, #tpu.memory_space<vmem>>, vector<128x128xf32>
    %dot_general3A = arith.constant dense<0.000000e+00> : vector<2000x128xf32>
    %dot_general3A_5 = tpu.matmul %get3A_1, %get3A_4, %dot_general3A {dimension_numbers = #tpu.dot_dimension_numbers<[1], [0], [0], [1], [0, 0, 1, 1], [], []>, transpose_lhs_hint = false} : vector<2000x128xf32>, vector<128x128xf32>, vector<2000x128xf32> -> vector<2000x128xf32>
    %swap3A = arith.constant 0 : index
    %swap3A_6 = arith.constant 0 : index
    %swap3A_7 = vector.load %arg3[%swap3A, %swap3A_6] : memref<2000x128xf32, #tpu.memory_space<vmem>>, vector<2000x128xf32>
    tpu.vector_store %arg3[%swap3A, %swap3A_6], %dot_general3A_5 {strides = array<i32>} : memref<2000x128xf32, #tpu.memory_space<vmem>>, vector<2000x128xf32>,
    return
  }
  func.func @transform_0(%arg0: i32) -> (i32, i32) {
    %c0_i32 = arith.constant 0 : i32
    %c0_i32_0 = arith.constant 0 : i32
    return %arg0, %c0_i32 : i32, i32
  }
  func.func @transform_1(%arg0: i32) -> (i32, i32) {
    %c0_i32 = arith.constant 0 : i32
    %c0_i32_0 = arith.constant 0 : i32
    %c0_i32_1 = arith.constant 0 : i32
    return %c0_i32, %c0_i32_0 : i32, i32
  }
  func.func @transform_2(%arg0: i32) -> (i32, i32) {
    %c0_i32 = arith.constant 0 : i32
    %c0_i32_0 = arith.constant 0 : i32
    return %arg0, %c0_i32 : i32, i32
  }
}

module attributes {stable_mosaic.version = 14 : i64} {
  func.func @_k2b_body(%arg0: i32, %arg1: memref<2000x128xf32, #tpu.memory_space<vmem>>, %arg2: memref<2000x1xf32, #tpu.memory_space<vmem>>, %arg3: memref<2000x128xf32, #tpu.memory_space<vmem>>) attributes {dimension_semantics = [#tpu.dimension_semantics<arbitrary>], iteration_bounds = array<i64: 5>, scalar_prefetch = 0 : i64, scratch_operands = 0 : i64, tpu.core_type = #tpu.core_type<tc>, window_params = [{transform_indices = @transform_0, window_bounds = array<i64: 2000, 128>}, {transform_indices = @transform_1, window_bounds = array<i64: 2000, 1>}, {transform_indices = @transform_2, window_bounds = array<i64: 2000, 128>}]} {
    %get3A = arith.constant 0 : index
    %get3A_0 = arith.constant 0 : index
    %get3A_1 = vector.load %arg2[%get3A, %get3A_0] : memref<2000x1xf32, #tpu.memory_space<vmem>>, vector<2000x1xf32>
    %add3A = arith.constant 1.000000e+00 : f32
    %add3A_2 = vector.broadcast %add3A : f32 to vector<2000x1xf32>
    %add3A_3 = arith.addf %get3A_1, %add3A_2 : vector<2000x1xf32>
    %rsqrt3A = math.rsqrt %add3A_3 : vector<2000x1xf32>
    %get3A_4 = arith.constant 0 : index
    %get3A_5 = arith.constant 0 : index
    %get3A_6 = vector.load %arg1[%get3A_4, %get3A_5] : memref<2000x128xf32, #tpu.memory_space<vmem>>, vector<2000x128xf32>
    %mul3A = vector.broadcast %rsqrt3A : vector<2000x1xf32> to vector<2000x128xf32>
    %mul3A_7 = arith.mulf %get3A_6, %mul3A : vector<2000x128xf32>
    %swap3A = arith.constant 0 : index
    %swap3A_8 = arith.constant 0 : index
    %swap3A_9 = vector.load %arg3[%swap3A, %swap3A_8] : memref<2000x128xf32, #tpu.memory_space<vmem>>, vector<2000x128xf32>
    tpu.vector_store %arg3[%swap3A, %swap3A_8], %mul3A_7 {strides = array<i32>} : memref<2000x128xf32, #tpu.memory_space<vmem>>, vector<2000x128xf32>,
    return
  }
  func.func @transform_0(%arg0: i32) -> (i32, i32) {
    %c0_i32 = arith.constant 0 : i32
    %c0_i32_0 = arith.constant 0 : i32
    return %arg0, %c0_i32 : i32, i32
  }
  func.func @transform_1(%arg0: i32) -> (i32, i32) {
    %c0_i32 = arith.constant 0 : i32
    %c0_i32_0 = arith.constant 0 : i32
    return %arg0, %c0_i32 : i32, i32
  }
  func.func @transform_2(%arg0: i32) -> (i32, i32) {
    %c0_i32 = arith.constant 0 : i32
    %c0_i32_0 = arith.constant 0 : i32
    return %arg0, %c0_i32 : i32, i32
  }
}

module attributes {stable_mosaic.version = 14 : i64} {
  func.func @_k4_body(%arg0: i32, %arg1: memref<2000x128xf32, #tpu.memory_space<vmem>>, %arg2: memref<1x2000x128xf32, #tpu.memory_space<vmem>>, %arg3: memref<1x2000x128xf32, #tpu.memory_space<vmem>>, %arg4: memref<2000x128xf32, #tpu.memory_space<vmem>>, %arg5: memref<2000x1xf32, #tpu.memory_space<vmem>>, %arg6: memref<1x128xf32, #tpu.memory_space<vmem>>, %arg7: memref<2000x128xf32, #tpu.memory_space<vmem>>) attributes {dimension_semantics = [#tpu.dimension_semantics<arbitrary>], iteration_bounds = array<i64: 5>, scalar_prefetch = 0 : i64, scratch_operands = 0 : i64, tpu.core_type = #tpu.core_type<tc>, window_params = [{transform_indices = @transform_0, window_bounds = array<i64: 2000, 128>}, {transform_indices = @transform_1, window_bounds = array<i64: 1, 2000, 128>}, {transform_indices = @transform_2, window_bounds = array<i64: 1, 2000, 128>}, {transform_indices = @transform_3, window_bounds = array<i64: 2000, 128>}, {transform_indices = @transform_4, window_bounds = array<i64: 2000, 1>}, {pipeline_mode = #tpu.pipeline_mode<synchronous>, transform_indices = @transform_5, window_bounds = array<i64: 1, 128>}, {transform_indices = @transform_6, window_bounds = array<i64: 2000, 128>}]} {
    %get3A = arith.constant 0 : index
    %get3A_0 = arith.constant 0 : index
    %get3A_1 = vector.load %arg5[%get3A, %get3A_0] : memref<2000x1xf32, #tpu.memory_space<vmem>>, vector<2000x1xf32>
    %add3A = arith.constant 1.000000e+00 : f32
    %add3A_2 = vector.broadcast %add3A : f32 to vector<2000x1xf32>
    %add3A_3 = arith.addf %get3A_1, %add3A_2 : vector<2000x1xf32>
    %rsqrt3A = math.rsqrt %add3A_3 : vector<2000x1xf32>
    %get3A_4 = arith.constant 0 : index
    %get3A_5 = arith.constant 0 : index
    %get3A_6 = arith.constant 0 : index
    %get3A_7 = vector.load %arg2[%get3A_4, %get3A_5, %get3A_6] : memref<1x2000x128xf32, #tpu.memory_space<vmem>>, vector<1x2000x128xf32>
    %get3A_8 = vector.shape_cast %get3A_7 : vector<1x2000x128xf32> to vector<2000x128xf32>
    %get3A_9 = arith.constant 0 : index
    %get3A_10 = arith.constant 0 : index
    %get3A_11 = arith.constant 0 : index
    %get3A_12 = vector.load %arg3[%get3A_9, %get3A_10, %get3A_11] : memref<1x2000x128xf32, #tpu.memory_space<vmem>>, vector<1x2000x128xf32>
    %get3A_13 = vector.shape_cast %get3A_12 : vector<1x2000x128xf32> to vector<2000x128xf32>
    %add3A_14 = arith.addf %get3A_8, %get3A_13 : vector<2000x128xf32>
    %get3A_15 = arith.constant 0 : index
    %get3A_16 = arith.constant 0 : index
    %get3A_17 = vector.load %arg4[%get3A_15, %get3A_16] : memref<2000x128xf32, #tpu.memory_space<vmem>>, vector<2000x128xf32>
    %add3A_18 = arith.addf %add3A_14, %get3A_17 : vector<2000x128xf32>
    %mul3A = vector.broadcast %rsqrt3A : vector<2000x1xf32> to vector<2000x128xf32>
    %mul3A_19 = arith.mulf %mul3A, %add3A_18 : vector<2000x128xf32>
    %get3A_20 = arith.constant 0 : index
    %get3A_21 = arith.constant 0 : index
    %get3A_22 = vector.load %arg6[%get3A_20, %get3A_21] : memref<1x128xf32, #tpu.memory_space<vmem>>, vector<1x128xf32>
    %add3A_23 = vector.broadcast %get3A_22 : vector<1x128xf32> to vector<2000x128xf32>
    %add3A_24 = arith.addf %mul3A_19, %add3A_23 : vector<2000x128xf32>
    %get3A_25 = arith.constant 0 : index
    %get3A_26 = arith.constant 0 : index
    %get3A_27 = vector.load %arg1[%get3A_25, %get3A_26] : memref<2000x128xf32, #tpu.memory_space<vmem>>, vector<2000x128xf32>
    %max3A = arith.constant 0.000000e+00 : f32
    %max3A_28 = vector.broadcast %max3A : f32 to vector<2000x128xf32>
    %max3A_29 = arith.maximumf %add3A_24, %max3A_28 : vector<2000x128xf32>
    %add3A_30 = arith.addf %get3A_27, %max3A_29 : vector<2000x128xf32>
    %swap3A = arith.constant 0 : index
    %swap3A_31 = arith.constant 0 : index
    %swap3A_32 = vector.load %arg7[%swap3A, %swap3A_31] : memref<2000x128xf32, #tpu.memory_space<vmem>>, vector<2000x128xf32>
    tpu.vector_store %arg7[%swap3A, %swap3A_31], %add3A_30 {strides = array<i32>} : memref<2000x128xf32, #tpu.memory_space<vmem>>, vector<2000x128xf32>,
    return
  }
  func.func @transform_0(%arg0: i32) -> (i32, i32) {
    %c0_i32 = arith.constant 0 : i32
    %c0_i32_0 = arith.constant 0 : i32
    return %arg0, %c0_i32 : i32, i32
  }
  func.func @transform_1(%arg0: i32) -> (i32, i32, i32) {
    %c0_i32 = arith.constant 0 : i32
    %c0_i32_0 = arith.constant 0 : i32
    %c0_i32_1 = arith.constant 0 : i32
    return %c0_i32, %arg0, %c0_i32_0 : i32, i32, i32
  }
  func.func @transform_2(%arg0: i32) -> (i32, i32, i32) {
    %c1_i32 = arith.constant 1 : i32
    %c0_i32 = arith.constant 0 : i32
    %c0_i32_0 = arith.constant 0 : i32
    return %c1_i32, %arg0, %c0_i32 : i32, i32, i32
  }
  func.func @transform_3(%arg0: i32) -> (i32, i32) {
    %c0_i32 = arith.constant 0 : i32
    %c0_i32_0 = arith.constant 0 : i32
    return %arg0, %c0_i32 : i32, i32
  }
  func.func @transform_4(%arg0: i32) -> (i32, i32) {
    %c0_i32 = arith.constant 0 : i32
    %c0_i32_0 = arith.constant 0 : i32
    return %arg0, %c0_i32 : i32, i32
  }
  func.func @transform_5(%arg0: i32) -> (i32, i32) {
    %c0_i32 = arith.constant 0 : i32
    %c0_i32_0 = arith.constant 0 : i32
    %c0_i32_1 = arith.constant 0 : i32
    return %c0_i32, %c0_i32_0 : i32, i32
  }
  func.func @transform_6(%arg0: i32) -> (i32, i32) {
    %c0_i32 = arith.constant 0 : i32
    %c0_i32_0 = arith.constant 0 : i32
    return %arg0, %c0_i32 : i32, i32
  }
}

</mosaic_0001>

<sc_bundles>
// kernel: kernel.10.cloned.1.call-start
scs
__scs_entry_jumppad:
0x0: {  	(pc) =	sbr.rel $0x88, $3  }
0x1: {  	(tag) =	ssettag $0x0;
	lr =	simm.s32 $0x1  }
0x2: {  	[smem:$0x3F9D] =	sst lr;
	_ =	strace $0xD0000000  }
0x3: {  	_ = 	snop  }
0x4: {  	_ = 	snop  }
0x5: {  	_ = 	snop  }
0x6: {  	_ = 	snop  }
0x7: {  	_ = 	snop  }
__scs_overlays_trampoline_lowered:
0x8: {  	[smem:$0x3FAC] =	sst s0  }
0x9: {  	[smem:$0x3FAD] =	sst s1  }
0xa: {  	[smem:$0x3FAE] =	sst s2  }
0xb: {  	[smem:$0x3FAF] =	sst s3  }
0xc: {  	[smem:$0x3FB0] =	sst s4  }
0xd: {  	[smem:$0x3FB1] =	sst s5  }
0xe: {  	[smem:$0x3FB2] =	sst s6  }
0xf: {  	[smem:$0x3FB3] =	sst s7  }
0x10: {  	[smem:$0x3FB4] =	sst s8  }
0x11: {  	[smem:$0x3FB5] =	sst s9;
	s0 =	simm.s32 @!p0 $0x0  }
0x12: {  	s1 =	sld [smem:$0x3F9B];
	s0 =	simm.s32 @p0 $0x1  }
0x13: {  	[smem:$0x3FB6] =	sst s0;
	s0 =	simm.s32 @!p1 $0x0  }
0x14: {  	s2 =	sld [smem:$0x3F9A];
	s0 =	simm.s32 @p1 $0x1  }
0x15: {  	[smem:$0x3FB7] =	sst s0;
	s0 =	simm.s32 @!p2 $0x0  }
0x16: {  	s3 =	sld [smem:$0x3FDB];
	s0 =	simm.s32 @p2 $0x1  }
0x17: {  	s4 =	simm.s32 $0x1BF5;
	[smem:$0x3FB9] =	sst s0  }
0x18: {  	s0 =	sld [smem:$0x3F9C];
	_ =	swait.ge [sflag:s4], $0x0  }
0x19: {  	s7 =	sld [smem:$0x3F9D]  }
0x1a: {  	s8 =	sadd.s32 $0xFFFFE003, lr  }
0x1b: {  	s9 =	sadd.s32 $0xFFFFFEF7, lr;
	s5 =	simm.s32 $0xFFFFFFFF;
	p2 =	slt.u32 s8, $0xFFFFF086  }
0x1c: {  	p1 =	slt.u32 s9, $0xF7A;
	s5 =	simm.s32 @!p2 $0x0  }
0x1d: {  	s5 =	simm.s32 @p1 $0x1;
	p0 =	seq.s32 s7, s2  }
0x1e: {  	s7 =	smul.u32 @!p0 $0xF7A, s2;
	p2 =	seq.s32 @!p0 s5, $0x0  }
0x1f: {  	s9 =	smul.u32 $0xF7A, s1;
	s8 =	simm.s32 @!p0 $0x1BF5;
	p2 =	por !p2, p0  }
0x20: {  	[sflag:s8] =	ssyncset.s32 @!p0 $0xFFFFF086;
	s6 =	sadd.s32 @!p0 s3, s7;
	s7 =	simm.s32 @!p0 $0x108  }
0x21: {  	s3 =	sadd.s32 s3, s9;
	s6 =	sadd.s32 @!p0 $0x88, s6;
	s7 =	simm.s32 @p2 $0x1082  }
0x22: {  	[simem:s7], [sflag:s8] =	dma.local @!p0 [hbm:s6], $0xF7A  }
0x23: {  	s9 =	sor.u32 $0xD0000000, s2;
	s6 =	simm.s32 $0x108;
	_ =	swait.ge @!p0 [sflag:s8], $0x0  }
0x24: {  	s3 =	sadd.s32 $0x88, s3;
	s6 =	simm.s32 @!p1 $0x1082;
	[sflag:s4] =	ssyncset.s32 $0xFFFFF086  }
0x25: {  	[simem:s6], [sflag:s4] =	dma.local [hbm:s3], $0xF7A  }
0x26: {  	[smem:$0x3F9D] =	sst s1;
	(tag) =	ssettag s2;
	_ =	strace s9  }
0x27: {  	s1 =	sld [smem:$0x3FAD]  }
0x28: {  	s2 =	sld [smem:$0x3FAE]  }
0x29: {  	s4 =	sld [smem:$0x3FB0]  }
0x2a: {  	p0 =	seq.s32 s5, $0x0;
	s5 =	sld [smem:$0x3FB1]  }
0x2b: {  	s6 =	sld [smem:$0x3FB2]  }
0x2c: {  	s7 =	sld [smem:$0x3FB3]  }
0x2d: {  	s3 =	simm.s32 $0x108;
	s8 =	sld [smem:$0x3FB4]  }
0x2e: {  	s3 =	simm.s32 @!p0 $0x1082;
	s9 =	sld [smem:$0x3FB5]  }
0x2f: {  	lr =	sadd.s32 s0, s3;
	s0 =	sld [smem:$0x3FAC]  }
0x30: {  	s3 =	sld [smem:$0x3FAF]  }
0x31: {  	[smem:$0x3FB8] =	sst s10  }
0x32: {  	s10 =	sld [smem:$0x3FB6];
	_ =	sdelay $0x3  }
0x33: {  	p0 =	seq.s32 s10, $0x1;
	s10 =	sld [smem:$0x3FB8];
	_ =	sdelay $0x3  }
0x34: {  	[smem:$0x3FB8] =	sst s10  }
0x35: {  	s10 =	sld [smem:$0x3FB7];
	_ =	sdelay $0x3  }
0x36: {  	p1 =	seq.s32 s10, $0x1;
	s10 =	sld [smem:$0x3FB8];
	_ =	sdelay $0x3  }
0x37: {  	[smem:$0x3FB8] =	sst s10  }
0x38: {  	s10 =	sld [smem:$0x3FB9]  }
0x39: {  	_ = 	snop;
	(pc) =	sbr.ind lr, $3  }
0x3a: {  	_ = 	snop  }
0x3b: {  	_ = 	snop  }
0x3c: {  	p2 =	seq.s32 s10, $0x1;
	s10 =	sld [smem:$0x3FB8]  }
0x3d: {  	_ =	shalt  }
0x3e: {  	_ =	shalt  }
0x3f: {  	_ =	shalt  }
0x40: {  	_ =	shalt  }
0x41: {  	_ =	shalt  }
0x42: {  	_ =	shalt  }
0x43: {  	_ =	shalt  }
0x44: {  	_ =	shalt  }
0x45: {  	_ =	shalt  }
0x46: {  	_ =	shalt  }
0x47: {  	_ =	shalt  }
0x48: {  	_ =	shalt  }
0x49: {  	_ =	shalt  }
0x4a: {  	_ =	shalt  }
0x4b: {  	_ =	shalt  }
0x4c: {  	_ =	shalt  }
0x4d: {  	_ =	shalt  }
0x4e: {  	_ =	shalt  }
0x4f: {  	_ =	shalt  }
0x50: {  	_ =	shalt  }
0x51: {  	_ =	shalt  }
0x52: {  	_ =	shalt  }
0x53: {  	_ =	shalt  }
0x54: {  	_ =	shalt  }
0x55: {  	_ =	shalt  }
0x56: {  	_ =	shalt  }
0x57: {  	_ =	shalt  }
0x58: {  	_ =	shalt  }
0x59: {  	_ =	shalt  }
0x5a: {  	_ =	shalt  }
0x5b: {  	_ =	shalt  }
0x5c: {  	_ =	shalt  }
0x5d: {  	_ =	shalt  }
0x5e: {  	_ =	shalt  }
0x5f: {  	_ =	shalt  }
0x60: {  	_ =	shalt  }
0x61: {  	_ =	shalt  }
0x62: {  	_ =	shalt  }
0x63: {  	_ =	shalt  }
0x64: {  	_ =	shalt  }
0x65: {  	_ =	shalt  }
0x66: {  	_ =	shalt  }
0x67: {  	_ =	shalt  }
0x68: {  	_ =	shalt  }
0x69: {  	_ =	shalt  }
0x6a: {  	_ =	shalt  }
0x6b: {  	_ =	shalt  }
0x6c: {  	_ =	shalt  }
0x6d: {  	_ =	shalt  }
0x6e: {  	_ =	shalt  }
0x6f: {  	_ =	shalt  }
0x70: {  	_ =	shalt  }
0x71: {  	_ =	shalt  }
0x72: {  	_ =	shalt  }
0x73: {  	_ =	shalt  }
0x74: {  	_ =	shalt  }
0x75: {  	_ =	shalt  }
0x76: {  	_ =	shalt  }
0x77: {  	_ =	shalt  }
0x78: {  	_ =	shalt  }
0x79: {  	_ =	shalt  }
0x7a: {  	_ =	shalt  }
0x7b: {  	_ =	shalt  }
0x7c: {  	_ =	shalt  }
0x7d: {  	_ =	shalt  }
0x7e: {  	_ =	shalt  }
0x7f: {  	_ =	shalt  }
0x80: {  	_ =	shalt  }
0x81: {  	_ =	shalt  }
0x82: {  	_ =	shalt  }
0x83: {  	_ =	shalt  }
0x84: {  	_ =	shalt  }
0x85: {  	_ =	shalt  }
0x86: {  	_ =	shalt  }
0x87: {  	_ =	shalt  }
.Lfunc_end0:
.L_simem_size_0:
called_computation.1_lowered:
.L_overlay_start_0:
0x88: {  	s2 =	sld [smem:$0x3FD9]  }
0x89: {  	s3 =	sld [smem:$0x3FFE];
	_ =	sdelay $0x1  }
0x8a: {  	s1 =	srdreg.scid  }
0x8b: {  	s0 =	sand.u32 $0x1, s1  }
0x8c: {  	s17 =	sshll.u32 s0, $0xA;
	s2 =	sadd.s32 s3, s2  }
0x8d: {  	s2 =	sadd.s32 s2, s17  }
0x8e: {  	[smem:$0x3FC4] =	sst s2  }
0x8f: {  	_ = 	snop  }
0x90: {  	s2 =	sld [smem:$0x3FD0];
	(tm) =	ssettm $0x1  }
0x91: {  	s18 =	sld [smem:$0x3FFB];
	_ =	sdelay $0x3  }
0x92: {  	_ =	strace s18  }
0x93: {  	s3 =	sld [smem:$0x3FFC];
	_ =	sdelay $0x3  }
0x94: {  	_ =	strace s3  }
0x95: {  	s3 =	sld [smem:$0x3FFD];
	_ =	sdelay $0x3  }
0x96: {  	_ =	strace s3  }
0x97: {  	_ =	strace $0x8FFFFFFF  }
0x98: {  	s19 =	sld [smem:$0x3FDB];
	_ =	sdelay $0x1  }
0x99: {  	s4 =	simm.s32 $_scs_section_size  }
0x9a: {  	s5 =	simm.s32 $_size__tile_overlayer_lowered;
	s6 =	simm.s32 $_tile_overlayer_lowered  }
0x9b: {  	s22 =	simm.s32 $0x1BFF;
	s21 =	sshll.u32 s6, $0x1;
	s3 =	sadd.s32 s4, s19  }
0x9c: {  	s7 =	simm.s32 $0x0;
	s20 =	sshll.u32 s5, $0x1;
	s5 =	sadd.s32 s21, s3  }
0x9d: {  	[timem:s7], [sflag:s22] =	dma.local [hbm:s5], s20  }
0x9e: {  	_ =	swait.ge [sflag:s22], s20  }
0x9f: {  	s4 =	ssub.s32 $0x0, s20;
	[sflag:s22] =	ssyncset.done $0x0  }
0xa0: {  	[sflag:s22] =	ssyncadd.s32 s4;
	_ =	sdelay $0x1  }
0xa1: {  	s23 =	simm.s32 $0x1B8B  }
0xa2: {  	_ =	swait.ge [sflag:s23], $0x1  }
0xa3: {  	[sflag:s23] =	ssyncset.done $0x0  }
0xa4: {  	s25 =	simm.s32 $0x1B8E;
	s24 =	sld [smem:$0x3FFE];
	[sflag:s23] =	ssyncadd.s32 $0xFFFFFFFF  }
0xa5: {  	s26 =	simm.s32 $execute0_lowered;
	[smem:$0x3FD2] =	sst s25  }
0xa6: {  	s5 =	sshll.u32 s26, $0x1;
	_ =	strace $0x80000049;
	[dreg:$0x1] =	wrdreg $0xFFFFFFFF  }
0xa7: {  	s28 =	simm.s32 $_size_execute0_lowered;
	s3 =	sadd.s32 s3, s5;
	[dreg:$0x0] =	wrdreg $0x0  }
0xa8: {  	s5 =	sshll.u32 s28, $0x1;
	[dreg:$0x2] =	wrdreg s3  }
0xa9: {  	[dreg:$0x3] =	wrdreg s5  }
0xaa: {  	[dreg:$0x4] =	wrdreg $0xC0  }
0xab: {  	_ =	task [dreg:s7], $0x5FFFF  }
0xac: {  	[dreg:$0x1] =	wrdreg $0xFFFFFFFF  }
0xad: {  	[dreg:$0x0] =	wrdreg $0x60  }
0xae: {  	[dreg:$0x2] =	wrdreg s2  }
0xaf: {  	[dreg:$0x3] =	wrdreg s24  }
0xb0: {  	[dreg:$0x4] =	wrdreg $0xA9000  }
0xb1: {  	[dreg:$0x5] =	wrdreg $0x9  }
0xb2: {  	_ =	task.clear_ibuf [dreg:s7], $0x6FFFF;
	_ =	strace $0x90000049  }
0xb3: {  	s29 =	simm.s32 $0x9;
	_ =	strace $0x8000004B  }
0xb4: {  	_ =	swait.ge [sflag:s29], $0x1  }
0xb5: {  	[sflag:s29] =	ssyncadd.s32 $0xFFFFFFFF  }
0xb6: {  	_ =	strace $0x9000004B  }
0xb7: {  	_ =	sfence  }
0xb8: {  	s30 =	sld [smem:$0x0];
	_ =	sdelay $0x2  }
0xb9: {  	s31 =	sshll.u32 s1, $0xD;
	s1 =	sshrl.u32 s1, $0x2  }
0xba: {  	s3 =	sand.u32 $0x4000, s31;
	s1 =	sadd.s32 s1, s30  }
0xbb: {  	s0 =	sor.u32 s3, s0;
	s1 =	sshll.u32 s1, $0x11  }
0xbc: {  	s0 =	sor.u32 s1, s0  }
0xbd: {  	s0 =	sadd.s32 $0x8F2B, s0  }
0xbe: {  	[sflag:s0] =	ssyncadd.remote.s32 $0x1  }
0xbf: {  	_ =	sfence.sel $0xFFFF  }
0xc0: {  	[dreg:$0x0] =	wrdreg $0xFFFFFFFF;
	(pc) =	sbr.abs _section_cstart, $3  }
0xc1: {  	[dreg:$0x1] =	wrdreg $0xFFFFFFFF  }
0xc2: {  	_ =	task.clear_ibuf [dreg:s7], $0x2FFFF;
	_ =	strace $0x9FFFFFFF  }
0xc3: {  	(tm) =	ssettm $0x7FFFFFFF  }
tec
execute0_lowered:
.L_overlay_start_1:
0x0: {  	(tag) =	ssettag $0x1  }
0x1: {  	s1 =	rddreg [dreg:$0x0]  }
0x2: {  	s0 =	rddreg [dreg:$0x1]  }
0x3: {  	s3 =	rddreg [dreg:$0x2]  }
0x4: {  	s2 =	srdreg.scid;
	s10 =	stileid.u32  }
0x5: {  	s4 =	simm.s32 $0x0;
	s28 =	simm.s32 $0x6900;
	s5 =	smul.u32 $0x280, s10  }
0x6: {  	s29 =	simm.s32 $0x1;
	s30 =	simm.s32 $0x3;
	s9 =	smul.u32 $0x50000, s10  }
0x7: {  	s31 =	simm.s32 $0x6;
	s2 =	sand.u32 $0x1, s2;
	s20 =	smul.u32 $0x2710, s10  }
0x8: {  	[smem:$0x7FF] =	sst s4;
	s8 =	sadd.s32 $0x1800, s0;
	s6 =	smul.u32 $0x2800, s2  }
0x9: {  	s7 =	sshll.u32 s2, $0x4;
	_ =	strace $0x8000004A;
	s14 =	ssub.s32 $0x2, s2  }
0xa: {  	s2 =	smul.u32 $0x27100, s2;
	s7 =	sor.u32 s10, s7;
	s15 =	sshrl.u32 s14, $0x1  }
0xb: {  	s16 =	sshrl.u32 s9, $0x2;
	s9 =	simm.s32 $0x0;
	s5 =	sadd.s32 s6, s5  }
0xc: {  	s13 =	smul.u32 $0x2710, s7;
	s7 =	ssub.s32 s14, s15;
	s2 =	sadd.s32 s20, s2  }
0xd: {  	s5 =	sshll.u32 s5, $0x4;
	s7 =	smax.u32 s7, $0x1;
	s25 =	sadd.s32 $0x4E280, s2  }
0xe: {  	s2 =	sadd.s32 $0x4E300, s2;
	s0 =	sadd.s32 s5, s0;
	s6 =	sshrl.u32 s13, $0x3  }
0xf: {  	[dreg:$0x6] =	wrdreg s7;
	s26 =	sshrl.u32 s25, $0x3;
	s2 =	sshrl.u32 s2, $0x3  }
0x10: {  	s25 =	simm.s32 $0x2800;
	s7 =	simm.s32 $0x2880;
	s5 =	sadd.s32 s8, s6  }
0x11: {  	s6 =	sadd.s32 s16, s3;
	s21 =	sadd.s32 $0x15200, s0;
	s22 =	sadd.s32 $0x15A00, s0  }
0x12: {  	s23 =	sadd.s32 $0x16200, s0;
	s24 =	sadd.s32 $0x16A00, s0;
	s0 =	sadd.s32 $0x17200, s0  }
0x13: {  	s20 =	sadd.s32 s26, s8;
	s26 =	simm.s32 $0x80;
	[dreg:$0x8] =	wrdreg s21  }
0x14: {  	s17 =	sadd.s32 $0x9C40, s5;
	s18 =	sadd.s32 $0xA120, s5;
	[dreg:$0x9] =	wrdreg s22  }
0x15: {  	s19 =	sadd.s32 $0xA110, s5;
	s11 =	sadd.s32 $0x4000, s6;
	[dreg:$0xa] =	wrdreg s23  }
0x16: {  	s12 =	sadd.s32 $0x8000, s6;
	s13 =	sadd.s32 $0xC000, s6;
	[dreg:$0xb] =	wrdreg s24  }
0x17: {  	s14 =	sadd.s32 $0x10000, s6;
	[dreg:$0xc] =	wrdreg s0;
	s21 =	sadd.s32 s2, s8  }
0x18: {  	s22 =	simm.s32 $0x5;
	s23 =	simm.s32 $0x2900;
	[dreg:$0x4] =	wrdreg s17  }
0x19: {  	s24 =	simm.s32 $0x2780;
	s0 =	simm.s32 $0x2;
	[dreg:$0x5] =	wrdreg s18  }
0x1a: {  	v0 =	vimm.f32 $0.0e+00;
	s2 =	simm.s32 $0x4;
	s8 =	simm.s32 $0x10;
	[dreg:$0x7] =	wrdreg s19  }
.LBB2_1:
0x1b: {  	[tilespmem:s4], [sflag:$0x5] =	stream.linear.gather [hbm4b:s5+s4], $0x2710, $0x38;
	[tilespmem:$0x1E900] =	vst v63  }
0x1c: {  	_ =	swait.ge [sflag:s22], $0x2710  }
0x1d: {  	[sflag:s22] =	ssyncset.done $0x0  }
0x1e: {  	s10 =	simm.s32 $0x0;
	s15 =	simm.s32 $0x200;
	[sflag:s22] =	ssyncadd.s32 $0xFFFFD8F0  }
.LBB2_2:
0x1f: {  	p0 =	sne.s32 s15, $0xFE00;
	[tilespmem:s10+$0x2970] =	vst v0  }
0x20: {  	[tilespmem:s10+$0x2900] =	vst v0  }
0x21: {  	[tilespmem:s10+$0x2910] =	vst v0  }
.Ltmp0:
0x22: {  	[tilespmem:s10+$0x2920] =	vst v0;
	(pc) =	sbr.rel @p0 .LBB2_2-.Ltmp0, $4  }
0x23: {  	[tilespmem:s10+$0x2930] =	vst v0  }
0x24: {  	[tilespmem:s10+$0x2940] =	vst v0  }
0x25: {  	[tilespmem:s10+$0x2950] =	vst v0  }
0x26: {  	[tilespmem:s10+$0x2960] =	vst v0;
	s10 =	sshra.s32 s15, $0x2;
	s15 =	sadd.s32 $0x200, s15  }
0x27: {  	[tilespmem:s10+$0x2970] =	vst v0  }
0x28: {  	[tilespmem:s10+$0x2900] =	vst v0  }
0x29: {  	[tilespmem:s10+$0x2910] =	vst v0  }
0x2a: {  	[tilespmem:s10+$0x2920] =	vst v0  }
0x2b: {  	[tilespmem:s10+$0x2930] =	vst v0  }
0x2c: {  	[tilespmem:s10+$0x2940] =	vst v0  }
0x2d: {  	[tilespmem:s10+$0x2950] =	vst v0  }
0x2e: {  	[tilespmem:s10+$0x2960] =	vst v0  }
0x2f: {  	[spmem:s6] =	stream.linear.scatter [tilespmem:s23], [sflag:$0x5], $0x4000, $0x38;
	[tilespmem:$0x1E900] =	vst v63  }
0x30: {  	_ =	swait.ge [sflag:s22], $0x4000  }
0x31: {  	[sflag:s22] =	ssyncset.done $0x0  }
0x32: {  	[sflag:s22] =	ssyncadd.s32 $0xFFFFC000  }
0x33: {  	[spmem:s11] =	stream.linear.scatter [tilespmem:s23], [sflag:$0x5], $0x4000, $0x38;
	[tilespmem:$0x1E900] =	vst v63  }
0x34: {  	_ =	swait.ge [sflag:s22], $0x4000  }
0x35: {  	[sflag:s22] =	ssyncset.done $0x0  }
0x36: {  	[sflag:s22] =	ssyncadd.s32 $0xFFFFC000  }
0x37: {  	[spmem:s12] =	stream.linear.scatter [tilespmem:s23], [sflag:$0x5], $0x4000, $0x38;
	[tilespmem:$0x1E900] =	vst v63  }
0x38: {  	_ =	swait.ge [sflag:s22], $0x4000  }
0x39: {  	[sflag:s22] =	ssyncset.done $0x0  }
0x3a: {  	[sflag:s22] =	ssyncadd.s32 $0xFFFFC000  }
0x3b: {  	[spmem:s13] =	stream.linear.scatter [tilespmem:s23], [sflag:$0x5], $0x4000, $0x38;
	[tilespmem:$0x1E900] =	vst v63  }
0x3c: {  	_ =	swait.ge [sflag:s22], $0x4000  }
0x3d: {  	[sflag:s22] =	ssyncset.done $0x0  }
0x3e: {  	[sflag:s22] =	ssyncadd.s32 $0xFFFFC000  }
0x3f: {  	[spmem:s14] =	stream.linear.scatter [tilespmem:s23], [sflag:$0x5], $0x4000, $0x38;
	[tilespmem:$0x1E900] =	vst v63  }
0x40: {  	_ =	swait.ge [sflag:s22], $0x4000  }
0x41: {  	[sflag:s22] =	ssyncset.done $0x0  }
0x42: {  	[sflag:s22] =	ssyncadd.s32 $0xFFFFC000  }
0x43: {  	[bflag:$0x0] =	sbarrier.arrive $0xFFFF  }
0x44: {  	s19 =	simm.s32 $0x0;
	s15 =	rddreg [dreg:$0x4]  }
0x45: {  	[tilespmem:s24], [sflag:$0x3] =	stream.linear.gather [hbm4b:s15+s19], $0x80, $0x38;
	[tilespmem:$0x1E900] =	vst v63  }
0x46: {  	s16 =	simm.s32 $0x80  }
0x47: {  	[tilespmem:s23], [sflag:$0x1] =	stream.indirect.gather [hbm4b:s1+s16], $0x80, s19, s16, $0xb8;
	[tilespmem:$0x1E900] =	vst v63  }
0x48: {  	s17 =	sadd.s32 $0x0, s20  }
0x49: {  	[tilespmem:s25], [sflag:$0x4] =	stream.linear.gather [hbm4b:s17+s4], $0x80, $0x38;
	[tilespmem:$0x1E900] =	vst v63  }
0x4a: {  	_ = 	snop  }
0x4b: {  	[tilespmem:s28], [sflag:$0x2] =	stream.indirect.gather [hbm4b:s1+s26], $0x80, s16, s26, $0xb8;
	[tilespmem:$0x1E900] =	vst v63  }
0x4c: {  	_ =	swait.ge [sflag:s29], $0x4000  }
0x4d: {  	[sflag:s29] =	ssyncset.done $0x0  }
0x4e: {  	[sflag:s29] =	ssyncadd.s32 $0xFFFFC000  }
0x4f: {  	_ =	swait.ge [sflag:s30], $0x80  }
0x50: {  	[sflag:s30] =	ssyncset.done $0x0  }
0x51: {  	[sflag:s30] =	ssyncadd.s32 $0xFFFFFF80  }
0x52: {  	[spmem:s3] =	stream.indirect.scatter.add.f32 [tilespmem:s23], [sflag:$0x6], $0x80, s24, s26, $0xb8;
	[tilespmem:$0x1E900] =	vst v63  }
0x53: {  	_ =	swait.ge [sflag:s31], $0x4000  }
0x54: {  	[sflag:s31] =	ssyncset.done $0x0  }
0x55: {  	s18 =	sadd.s32 $0x0, s21;
	[sflag:s31] =	ssyncadd.s32 $0xFFFFC000  }
0x56: {  	[tilespmem:s24], [sflag:$0x3] =	stream.linear.gather [hbm4b:s18+s4], $0x80, $0x38;
	[tilespmem:$0x1E900] =	vst v63  }
0x57: {  	s19 =	simm.s32 $0x100  }
0x58: {  	[tilespmem:s23], [sflag:$0x1] =	stream.indirect.gather [hbm4b:s1+s26], $0x80, s19, s26, $0xb8;
	[tilespmem:$0x1E900] =	vst v63  }
0x59: {  	_ =	swait.ge [sflag:s0], $0x4000  }
0x5a: {  	[sflag:s0] =	ssyncset.done $0x0  }
0x5b: {  	[sflag:s0] =	ssyncadd.s32 $0xFFFFC000  }
0x5c: {  	_ =	swait.ge [sflag:s2], $0x80  }
0x5d: {  	[sflag:s2] =	ssyncset.done $0x0  }
0x5e: {  	[sflag:s2] =	ssyncadd.s32 $0xFFFFFF80  }
0x5f: {  	[spmem:s3] =	stream.indirect.scatter.add.f32 [tilespmem:s28], [sflag:$0x5], $0x80, s25, s26, $0xb8;
	[tilespmem:$0x1E900] =	vst v63  }
0x60: {  	s10 =	simm.s32 $0x20;
	_ =	swait.ge [sflag:s22], $0x4000  }
0x61: {  	s15 =	simm.s32 $0x180;
	s16 =	simm.s32 $0x40;
	[sflag:s22] =	ssyncset.done $0x0  }
.LBB2_4:
0x62: {  	s17 =	sadd.s32 s10, s20  }
0x63: {  	[sflag:s22] =	ssyncadd.s32 $0xFFFFC000;
	s18 =	smov.u32 s16;
	s19 =	sadd.s32 $0x20, s16  }
0x64: {  	[tilespmem:s25], [sflag:$0x4] =	stream.linear.gather [hbm4b:s17+s4], $0x80, $0x38;
	[tilespmem:$0x1E900] =	vst v63  }
0x65: {  	p0 =	sne.s32 s16, $0x4A0  }
0x66: {  	[tilespmem:s28], [sflag:$0x2] =	stream.indirect.gather [hbm4b:s1+s26], $0x80, s15, s26, $0xb8;
	[tilespmem:$0x1E900] =	vst v63  }
0x67: {  	_ =	swait.ge [sflag:s29], $0x4000  }
0x68: {  	[sflag:s29] =	ssyncset.done $0x0  }
0x69: {  	[sflag:s29] =	ssyncadd.s32 $0xFFFFC000  }
0x6a: {  	_ =	swait.ge [sflag:s30], $0x80  }
0x6b: {  	[sflag:s30] =	ssyncset.done $0x0  }
0x6c: {  	[sflag:s30] =	ssyncadd.s32 $0xFFFFFF80  }
0x6d: {  	[spmem:s3] =	stream.indirect.scatter.add.f32 [tilespmem:s23], [sflag:$0x6], $0x80, s24, s26, $0xb8;
	[tilespmem:$0x1E900] =	vst v63  }
0x6e: {  	_ =	swait.ge [sflag:s31], $0x4000  }
0x6f: {  	[sflag:s31] =	ssyncset.done $0x0  }
0x70: {  	s16 =	sadd.s32 s10, s21;
	s10 =	smov.u32 s18;
	[sflag:s31] =	ssyncadd.s32 $0xFFFFC000  }
0x71: {  	[tilespmem:s24], [sflag:$0x3] =	stream.linear.gather [hbm4b:s16+s4], $0x80, $0x38;
	[tilespmem:$0x1E900] =	vst v63  }
0x72: {  	s16 =	sadd.s32 $0x80, s15  }
0x73: {  	[tilespmem:s23], [sflag:$0x1] =	stream.indirect.gather [hbm4b:s1+s26], $0x80, s16, s26, $0xb8;
	[tilespmem:$0x1E900] =	vst v63  }
0x74: {  	_ =	swait.ge [sflag:s0], $0x4000  }
0x75: {  	[sflag:s0] =	ssyncset.done $0x0  }
0x76: {  	[sflag:s0] =	ssyncadd.s32 $0xFFFFC000  }
0x77: {  	_ =	swait.ge [sflag:s2], $0x80  }
.Ltmp1:
0x78: {  	[sflag:s2] =	ssyncset.done $0x0;
	(pc) =	sbr.rel @p0 .LBB2_4-.Ltmp1, $4  }
0x79: {  	[sflag:s2] =	ssyncadd.s32 $0xFFFFFF80  }
0x7a: {  	[spmem:s3] =	stream.indirect.scatter.add.f32 [tilespmem:s28], [sflag:$0x5], $0x80, s25, s26, $0xb8;
	[tilespmem:$0x1E900] =	vst v63  }
0x7b: {  	_ =	swait.ge [sflag:s22], $0x4000  }
0x7c: {  	s15 =	sadd.s32 $0x100, s15;
	s16 =	smov.u32 s19;
	[sflag:s22] =	ssyncset.done $0x0  }
0x7d: {  	s16 =	sadd.s32 s10, s20;
	[sflag:s22] =	ssyncadd.s32 $0xFFFFC000  }
0x7e: {  	[tilespmem:s25], [sflag:$0x4] =	stream.linear.gather [hbm4b:s16+s4], $0x80, $0x38;
	[tilespmem:$0x1E900] =	vst v63  }
0x7f: {  	_ = 	snop  }
0x80: {  	[tilespmem:s28], [sflag:$0x2] =	stream.indirect.gather [hbm4b:s1+s26], $0x80, s15, s26, $0xb8;
	[tilespmem:$0x1E900] =	vst v63  }
0x81: {  	_ =	swait.ge [sflag:s29], $0x4000  }
0x82: {  	[sflag:s29] =	ssyncset.done $0x0  }
0x83: {  	[sflag:s29] =	ssyncadd.s32 $0xFFFFC000  }
0x84: {  	_ =	swait.ge [sflag:s30], $0x80  }
0x85: {  	[sflag:s30] =	ssyncset.done $0x0  }
0x86: {  	[sflag:s30] =	ssyncadd.s32 $0xFFFFFF80  }
0x87: {  	[spmem:s3] =	stream.indirect.scatter.add.f32 [tilespmem:s23], [sflag:$0x6], $0x80, s24, s26, $0xb8;
	[tilespmem:$0x1E900] =	vst v63  }
0x88: {  	_ =	swait.ge [sflag:s31], $0x4000  }
0x89: {  	[sflag:s31] =	ssyncset.done $0x0  }
0x8a: {  	s18 =	sadd.s32 s10, s21;
	[sflag:s31] =	ssyncadd.s32 $0xFFFFC000  }
0x8b: {  	[tilespmem:s24], [sflag:$0x3] =	stream.linear.gather [hbm4b:s18+s4], $0x80, $0x38;
	[tilespmem:$0x1E900] =	vst v63  }
0x8c: {  	s19 =	sadd.s32 $0x80, s15  }
0x8d: {  	[tilespmem:s23], [sflag:$0x1] =	stream.indirect.gather [hbm4b:s1+s26], $0x80, s19, s26, $0xb8;
	[tilespmem:$0x1E900] =	vst v63  }
0x8e: {  	_ =	swait.ge [sflag:s0], $0x4000  }
0x8f: {  	[sflag:s0] =	ssyncset.done $0x0  }
0x90: {  	[sflag:s0] =	ssyncadd.s32 $0xFFFFC000  }
0x91: {  	_ =	swait.ge [sflag:s2], $0x80  }
0x92: {  	[sflag:s2] =	ssyncset.done $0x0  }
0x93: {  	[sflag:s2] =	ssyncadd.s32 $0xFFFFFF80  }
0x94: {  	[spmem:s3] =	stream.indirect.scatter.add.f32 [tilespmem:s28], [sflag:$0x5], $0x80, s25, s26, $0xb8;
	[tilespmem:$0x1E900] =	vst v63  }
0x95: {  	_ =	swait.ge [sflag:s22], $0x4000  }
0x96: {  	[sflag:s22] =	ssyncset.done $0x0  }
0x97: {  	s15 =	rddreg [dreg:$0x7];
	[sflag:s22] =	ssyncadd.s32 $0xFFFFC000  }
0x98: {  	[tilespmem:s25], [sflag:$0x4] =	stream.linear.gather [hbm4b:s15+s4], $0x80, $0x38;
	[tilespmem:$0x1E900] =	vst v63  }
0x99: {  	s16 =	simm.s32 $0x2680  }
0x9a: {  	[tilespmem:s28], [sflag:$0x2] =	stream.indirect.gather [hbm4b:s1+s26], $0x80, s16, s26, $0xb8;
	[tilespmem:$0x1E900] =	vst v63  }
0x9b: {  	_ =	swait.ge [sflag:s29], $0x4000  }
0x9c: {  	[sflag:s29] =	ssyncset.done $0x0  }
0x9d: {  	[sflag:s29] =	ssyncadd.s32 $0xFFFFC000  }
0x9e: {  	_ =	swait.ge [sflag:s30], $0x80  }
0x9f: {  	[sflag:s30] =	ssyncset.done $0x0  }
0xa0: {  	[sflag:s30] =	ssyncadd.s32 $0xFFFFFF80  }
0xa1: {  	[spmem:s3] =	stream.indirect.scatter.add.f32 [tilespmem:s23], [sflag:$0x6], $0x80, s24, s26, $0xb8;
	[tilespmem:$0x1E900] =	vst v63  }
0xa2: {  	_ =	swait.ge [sflag:s31], $0x4000  }
0xa3: {  	[sflag:s31] =	ssyncset.done $0x0  }
0xa4: {  	[sflag:s31] =	ssyncadd.s32 $0xFFFFC000  }
0xa5: {  	_ =	swait.ge [sflag:s0], $0x4000  }
0xa6: {  	[sflag:s0] =	ssyncset.done $0x0  }
0xa7: {  	[sflag:s0] =	ssyncadd.s32 $0xFFFFC000  }
0xa8: {  	_ =	swait.ge [sflag:s2], $0x80  }
0xa9: {  	[sflag:s2] =	ssyncset.done $0x0  }
0xaa: {  	[sflag:s2] =	ssyncadd.s32 $0xFFFFFF80  }
0xab: {  	[spmem:s3] =	stream.indirect.scatter.add.f32 [tilespmem:s28], [sflag:$0x5], $0x80, s25, s26, $0xb8;
	[tilespmem:$0x1E900] =	vst v63  }
0xac: {  	_ =	swait.ge [sflag:s22], $0x4000  }
0xad: {  	[sflag:s22] =	ssyncset.done $0x0  }
0xae: {  	s17 =	rddreg [dreg:$0x5];
	[sflag:s22] =	ssyncadd.s32 $0xFFFFC000  }
0xaf: {  	[tilespmem:s7], [sflag:$0x5] =	stream.linear.gather [hbm4b:s17+s4], $0x10, $0x38;
	[tilespmem:$0x1E900] =	vst v63  }
0xb0: {  	_ =	swait.ge [sflag:s22], $0x10  }
0xb1: {  	[sflag:s22] =	ssyncset.done $0x0  }
0xb2: {  	s18 =	simm.s32 $0x2700;
	[sflag:s22] =	ssyncadd.s32 $0xFFFFFFF0  }
0xb3: {  	[tilespmem:s23], [sflag:$0x1] =	stream.indirect.gather [hbm4b:s1+s8], $0x80, s18, s8, $0xb8;
	[tilespmem:$0x1E900] =	vst v63  }
0xb4: {  	_ =	swait.ge [sflag:s29], $0x800  }
0xb5: {  	[sflag:s29] =	ssyncset.done $0x0  }
0xb6: {  	[sflag:s29] =	ssyncadd.s32 $0xFFFFF800  }
0xb7: {  	[spmem:s3] =	stream.indirect.scatter.add.f32 [tilespmem:s23], [sflag:$0x5], $0x80, s7, s8, $0xb8;
	[tilespmem:$0x1E900] =	vst v63  }
0xb8: {  	_ =	swait.ge [sflag:s22], $0x800  }
0xb9: {  	[sflag:s22] =	ssyncset.done $0x0  }
0xba: {  	[sflag:s22] =	ssyncadd.s32 $0xFFFFF800  }
0xbb: {  	[bflag:$0x0] =	sbarrier.arrive $0xFFFF  }
0xbc: {  	[tilespmem:s23], [sflag:$0x1] =	stream.linear.gather [spmem:s6], $0x4000, $0x38;
	[tilespmem:$0x1E900] =	vst v63  }
0xbd: {  	_ = 	snop  }
0xbe: {  	[tilespmem:s28], [sflag:$0x2] =	stream.linear.gather [spmem:s11], $0x4000, $0x38;
	[tilespmem:$0x1E900] =	vst v63  }
0xbf: {  	_ =	swait.ge [sflag:s29], $0x4000  }
0xc0: {  	[sflag:s29] =	ssyncset.done $0x0  }
0xc1: {  	s19 =	rddreg [dreg:$0x8];
	[sflag:s29] =	ssyncadd.s32 $0xFFFFC000  }
0xc2: {  	[hbm4b:s19+s4] =	stream.linear.scatter [tilespmem:s23], [sflag:$0x6], $0x4000, $0x38;
	[tilespmem:$0x1E900] =	vst v63  }
0xc3: {  	_ =	swait.ge [sflag:s31], $0x4000  }
0xc4: {  	[sflag:s31] =	ssyncset.done $0x0  }
0xc5: {  	[sflag:s31] =	ssyncadd.s32 $0xFFFFC000  }
0xc6: {  	[tilespmem:s23], [sflag:$0x1] =	stream.linear.gather [spmem:s12], $0x4000, $0x38;
	[tilespmem:$0x1E900] =	vst v63  }
0xc7: {  	_ =	swait.ge [sflag:s0], $0x4000  }
0xc8: {  	[sflag:s0] =	ssyncset.done $0x0  }
0xc9: {  	s15 =	rddreg [dreg:$0x9];
	[sflag:s0] =	ssyncadd.s32 $0xFFFFC000  }
0xca: {  	[hbm4b:s15+s4] =	stream.linear.scatter [tilespmem:s28], [sflag:$0x5], $0x4000, $0x38;
	[tilespmem:$0x1E900] =	vst v63  }
0xcb: {  	_ =	swait.ge [sflag:s22], $0x4000  }
0xcc: {  	[sflag:s22] =	ssyncset.done $0x0  }
0xcd: {  	[sflag:s22] =	ssyncadd.s32 $0xFFFFC000  }
0xce: {  	[tilespmem:s28], [sflag:$0x2] =	stream.linear.gather [spmem:s13], $0x4000, $0x38;
	[tilespmem:$0x1E900] =	vst v63  }
0xcf: {  	_ =	swait.ge [sflag:s29], $0x4000  }
0xd0: {  	[sflag:s29] =	ssyncset.done $0x0  }
0xd1: {  	s16 =	rddreg [dreg:$0xa];
	[sflag:s29] =	ssyncadd.s32 $0xFFFFC000  }
0xd2: {  	[hbm4b:s16+s4] =	stream.linear.scatter [tilespmem:s23], [sflag:$0x6], $0x4000, $0x38;
	[tilespmem:$0x1E900] =	vst v63  }
0xd3: {  	_ =	swait.ge [sflag:s31], $0x4000  }
0xd4: {  	[sflag:s31] =	ssyncset.done $0x0  }
0xd5: {  	[sflag:s31] =	ssyncadd.s32 $0xFFFFC000  }
0xd6: {  	[tilespmem:s23], [sflag:$0x1] =	stream.linear.gather [spmem:s14], $0x4000, $0x38;
	[tilespmem:$0x1E900] =	vst v63  }
0xd7: {  	_ =	swait.ge [sflag:s0], $0x4000  }
0xd8: {  	[sflag:s0] =	ssyncset.done $0x0  }
0xd9: {  	s17 =	rddreg [dreg:$0xb];
	[sflag:s0] =	ssyncadd.s32 $0xFFFFC000  }
0xda: {  	[hbm4b:s17+s4] =	stream.linear.scatter [tilespmem:s28], [sflag:$0x5], $0x4000, $0x38;
	[tilespmem:$0x1E900] =	vst v63  }
0xdb: {  	_ =	swait.ge [sflag:s22], $0x4000  }
0xdc: {  	[sflag:s22] =	ssyncset.done $0x0  }
0xdd: {  	[sflag:s22] =	ssyncadd.s32 $0xFFFFC000  }
0xde: {  	_ =	swait.ge [sflag:s29], $0x4000  }
0xdf: {  	[sflag:s29] =	ssyncset.done $0x0  }
0xe0: {  	s18 =	rddreg [dreg:$0xc];
	[sflag:s29] =	ssyncadd.s32 $0xFFFFC000  }
0xe1: {  	[hbm4b:s18+s4] =	stream.linear.scatter [tilespmem:s23], [sflag:$0x6], $0x4000, $0x38;
	[tilespmem:$0x1E900] =	vst v63  }
0xe2: {  	_ =	swait.ge [sflag:s31], $0x4000  }
0xe3: {  	s9 =	sadd.s32 $0x1, s9;
	s19 =	rddreg [dreg:$0x6]  }
0xe4: {  	p0 =	sne.s32 s9, s19  }
.Ltmp2:
0xe5: {  	_ = 	snop;
	(pc) =	sbr.rel @p0 .LBB2_1-.Ltmp2, $3  }
0xe6: {  	_ =	sdelay $0x1  }
0xe7: {  	[sflag:s31] =	ssyncset.done $0x0  }
0xe8: {  	[sflag:s31] =	ssyncadd.s32 $0xFFFFC000  }
0xe9: {  	_ =	sfence.sel $0x180000  }
0xea: {  	[bflag:$0x0] =	sbarrier.arrive $0xFFFF  }
0xeb: {  	_ =	strace $0x9000004A  }
0xec: {  	s0 =	stileid.u32;
	[bflag:$0x2] =	sbarrier.arrive $0xFFFF  }
0xed: {  	p0 =	sne.s32 s0, $0x0;
	s0 =	rddreg [dreg:$0x3]  }
0xee: {  	s0 =	sadd.s32 @!p0 $0x100000, s0  }
0xef: {  	[sflag:s0] =	ssyncadd.tile.s32 @!p0 $0x1;
	_ =	shalt  }
.Lfunc_end2:
_tile_overlayer_lowered:
.L_overlay_start_2:
0xf0: {  	(tag) =	ssettag $0x2  }
0xf1: {  	s0 =	rddreg [dreg:$0x0];
	s2 =	stileid.u32  }
0xf2: {  	s1 =	rddreg [dreg:$0x1];
	p0 =	sne.s32 s2, $0x0  }
0xf3: {  	s3 =	rddreg [dreg:$0x2];
	[bflag:$0x3] =	sbarrier.arrive $0xFFFF;
	s2 =	simm.s32 @!p0 $0x1C05  }
0xf4: {  	[timem:s3], [sflag:s2] =	dma.local @!p0 [hbm:s0], s1  }
0xf5: {  	s0 =	simm.s32 @!p0 $0x5  }
0xf6: {  	_ =	swait.ge @!p0 [sflag:s0], s1  }
0xf7: {  	s1 =	ssub.s32 @!p0 $0x0, s1;
	[sflag:s0] =	ssyncset.done @!p0 $0x0  }
0xf8: {  	[sflag:s0] =	ssyncadd.s32 @!p0 s1  }
0xf9: {  	[bflag:$0x3] =	sbarrier.arrive $0xFFFF  }
0xfa: {  	_ =	shalt  }

// kernel: kernel.7.cloned.1.call-start
scs
__scs_entry_jumppad:
0x0: {  	(pc) =	sbr.rel $0x88, $3  }
0x1: {  	(tag) =	ssettag $0x0;
	lr =	simm.s32 $0x1  }
0x2: {  	[smem:$0x3F9D] =	sst lr;
	_ =	strace $0xD0000000  }
0x3: {  	_ = 	snop  }
0x4: {  	_ = 	snop  }
0x5: {  	_ = 	snop  }
0x6: {  	_ = 	snop  }
0x7: {  	_ = 	snop  }
__scs_overlays_trampoline_lowered:
0x8: {  	[smem:$0x3FAC] =	sst s0  }
0x9: {  	[smem:$0x3FAD] =	sst s1  }
0xa: {  	[smem:$0x3FAE] =	sst s2  }
0xb: {  	[smem:$0x3FAF] =	sst s3  }
0xc: {  	[smem:$0x3FB0] =	sst s4  }
0xd: {  	[smem:$0x3FB1] =	sst s5  }
0xe: {  	[smem:$0x3FB2] =	sst s6  }
0xf: {  	[smem:$0x3FB3] =	sst s7  }
0x10: {  	[smem:$0x3FB4] =	sst s8  }
0x11: {  	[smem:$0x3FB5] =	sst s9;
	s0 =	simm.s32 @!p0 $0x0  }
0x12: {  	s1 =	sld [smem:$0x3F9B];
	s0 =	simm.s32 @p0 $0x1  }
0x13: {  	[smem:$0x3FB6] =	sst s0;
	s0 =	simm.s32 @!p1 $0x0  }
0x14: {  	s2 =	sld [smem:$0x3F9A];
	s0 =	simm.s32 @p1 $0x1  }
0x15: {  	[smem:$0x3FB7] =	sst s0;
	s0 =	simm.s32 @!p2 $0x0  }
0x16: {  	s3 =	sld [smem:$0x3FDB];
	s0 =	simm.s32 @p2 $0x1  }
0x17: {  	s4 =	simm.s32 $0x1BF5;
	[smem:$0x3FB9] =	sst s0  }
0x18: {  	s0 =	sld [smem:$0x3F9C];
	_ =	swait.ge [sflag:s4], $0x0  }
0x19: {  	s7 =	sld [smem:$0x3F9D]  }
0x1a: {  	s8 =	sadd.s32 $0xFFFFE003, lr  }
0x1b: {  	s9 =	sadd.s32 $0xFFFFFEF7, lr;
	s5 =	simm.s32 $0xFFFFFFFF;
	p2 =	slt.u32 s8, $0xFFFFF086  }
0x1c: {  	p1 =	slt.u32 s9, $0xF7A;
	s5 =	simm.s32 @!p2 $0x0  }
0x1d: {  	s5 =	simm.s32 @p1 $0x1;
	p0 =	seq.s32 s7, s2  }
0x1e: {  	s7 =	smul.u32 @!p0 $0xF7A, s2;
	p2 =	seq.s32 @!p0 s5, $0x0  }
0x1f: {  	s9 =	smul.u32 $0xF7A, s1;
	s8 =	simm.s32 @!p0 $0x1BF5;
	p2 =	por !p2, p0  }
0x20: {  	[sflag:s8] =	ssyncset.s32 @!p0 $0xFFFFF086;
	s6 =	sadd.s32 @!p0 s3, s7;
	s7 =	simm.s32 @!p0 $0x108  }
0x21: {  	s3 =	sadd.s32 s3, s9;
	s6 =	sadd.s32 @!p0 $0x88, s6;
	s7 =	simm.s32 @p2 $0x1082  }
0x22: {  	[simem:s7], [sflag:s8] =	dma.local @!p0 [hbm:s6], $0xF7A  }
0x23: {  	s9 =	sor.u32 $0xD0000000, s2;
	s6 =	simm.s32 $0x108;
	_ =	swait.ge @!p0 [sflag:s8], $0x0  }
0x24: {  	s3 =	sadd.s32 $0x88, s3;
	s6 =	simm.s32 @!p1 $0x1082;
	[sflag:s4] =	ssyncset.s32 $0xFFFFF086  }
0x25: {  	[simem:s6], [sflag:s4] =	dma.local [hbm:s3], $0xF7A  }
0x26: {  	[smem:$0x3F9D] =	sst s1;
	(tag) =	ssettag s2;
	_ =	strace s9  }
0x27: {  	s1 =	sld [smem:$0x3FAD]  }
0x28: {  	s2 =	sld [smem:$0x3FAE]  }
0x29: {  	s4 =	sld [smem:$0x3FB0]  }
0x2a: {  	p0 =	seq.s32 s5, $0x0;
	s5 =	sld [smem:$0x3FB1]  }
0x2b: {  	s6 =	sld [smem:$0x3FB2]  }
0x2c: {  	s7 =	sld [smem:$0x3FB3]  }
0x2d: {  	s3 =	simm.s32 $0x108;
	s8 =	sld [smem:$0x3FB4]  }
0x2e: {  	s3 =	simm.s32 @!p0 $0x1082;
	s9 =	sld [smem:$0x3FB5]  }
0x2f: {  	lr =	sadd.s32 s0, s3;
	s0 =	sld [smem:$0x3FAC]  }
0x30: {  	s3 =	sld [smem:$0x3FAF]  }
0x31: {  	[smem:$0x3FB8] =	sst s10  }
0x32: {  	s10 =	sld [smem:$0x3FB6];
	_ =	sdelay $0x3  }
0x33: {  	p0 =	seq.s32 s10, $0x1;
	s10 =	sld [smem:$0x3FB8];
	_ =	sdelay $0x3  }
0x34: {  	[smem:$0x3FB8] =	sst s10  }
0x35: {  	s10 =	sld [smem:$0x3FB7];
	_ =	sdelay $0x3  }
0x36: {  	p1 =	seq.s32 s10, $0x1;
	s10 =	sld [smem:$0x3FB8];
	_ =	sdelay $0x3  }
0x37: {  	[smem:$0x3FB8] =	sst s10  }
0x38: {  	s10 =	sld [smem:$0x3FB9]  }
0x39: {  	_ = 	snop;
	(pc) =	sbr.ind lr, $3  }
0x3a: {  	_ = 	snop  }
0x3b: {  	_ = 	snop  }
0x3c: {  	p2 =	seq.s32 s10, $0x1;
	s10 =	sld [smem:$0x3FB8]  }
0x3d: {  	_ =	shalt  }
0x3e: {  	_ =	shalt  }
0x3f: {  	_ =	shalt  }
0x40: {  	_ =	shalt  }
0x41: {  	_ =	shalt  }
0x42: {  	_ =	shalt  }
0x43: {  	_ =	shalt  }
0x44: {  	_ =	shalt  }
0x45: {  	_ =	shalt  }
0x46: {  	_ =	shalt  }
0x47: {  	_ =	shalt  }
0x48: {  	_ =	shalt  }
0x49: {  	_ =	shalt  }
0x4a: {  	_ =	shalt  }
0x4b: {  	_ =	shalt  }
0x4c: {  	_ =	shalt  }
0x4d: {  	_ =	shalt  }
0x4e: {  	_ =	shalt  }
0x4f: {  	_ =	shalt  }
0x50: {  	_ =	shalt  }
0x51: {  	_ =	shalt  }
0x52: {  	_ =	shalt  }
0x53: {  	_ =	shalt  }
0x54: {  	_ =	shalt  }
0x55: {  	_ =	shalt  }
0x56: {  	_ =	shalt  }
0x57: {  	_ =	shalt  }
0x58: {  	_ =	shalt  }
0x59: {  	_ =	shalt  }
0x5a: {  	_ =	shalt  }
0x5b: {  	_ =	shalt  }
0x5c: {  	_ =	shalt  }
0x5d: {  	_ =	shalt  }
0x5e: {  	_ =	shalt  }
0x5f: {  	_ =	shalt  }
0x60: {  	_ =	shalt  }
0x61: {  	_ =	shalt  }
0x62: {  	_ =	shalt  }
0x63: {  	_ =	shalt  }
0x64: {  	_ =	shalt  }
0x65: {  	_ =	shalt  }
0x66: {  	_ =	shalt  }
0x67: {  	_ =	shalt  }
0x68: {  	_ =	shalt  }
0x69: {  	_ =	shalt  }
0x6a: {  	_ =	shalt  }
0x6b: {  	_ =	shalt  }
0x6c: {  	_ =	shalt  }
0x6d: {  	_ =	shalt  }
0x6e: {  	_ =	shalt  }
0x6f: {  	_ =	shalt  }
0x70: {  	_ =	shalt  }
0x71: {  	_ =	shalt  }
0x72: {  	_ =	shalt  }
0x73: {  	_ =	shalt  }
0x74: {  	_ =	shalt  }
0x75: {  	_ =	shalt  }
0x76: {  	_ =	shalt  }
0x77: {  	_ =	shalt  }
0x78: {  	_ =	shalt  }
0x79: {  	_ =	shalt  }
0x7a: {  	_ =	shalt  }
0x7b: {  	_ =	shalt  }
0x7c: {  	_ =	shalt  }
0x7d: {  	_ =	shalt  }
0x7e: {  	_ =	shalt  }
0x7f: {  	_ =	shalt  }
0x80: {  	_ =	shalt  }
0x81: {  	_ =	shalt  }
0x82: {  	_ =	shalt  }
0x83: {  	_ =	shalt  }
0x84: {  	_ =	shalt  }
0x85: {  	_ =	shalt  }
0x86: {  	_ =	shalt  }
0x87: {  	_ =	shalt  }
.Lfunc_end0:
.L_simem_size_0:
called_computation_lowered:
.L_overlay_start_0:
0x88: {  	s2 =	sld [smem:$0x3FD9]  }
0x89: {  	s3 =	sld [smem:$0x3FFE];
	_ =	sdelay $0x1  }
0x8a: {  	s1 =	srdreg.scid  }
0x8b: {  	s0 =	sand.u32 $0x1, s1  }
0x8c: {  	s17 =	sshll.u32 s0, $0xA;
	s2 =	sadd.s32 s3, s2  }
0x8d: {  	s2 =	sadd.s32 s2, s17  }
0x8e: {  	[smem:$0x3FC4] =	sst s2  }
0x8f: {  	_ = 	snop  }
0x90: {  	s2 =	sld [smem:$0x3FD0];
	(tm) =	ssettm $0x1  }
0x91: {  	s18 =	sld [smem:$0x3FFB];
	_ =	sdelay $0x3  }
0x92: {  	_ =	strace s18  }
0x93: {  	s3 =	sld [smem:$0x3FFC];
	_ =	sdelay $0x3  }
0x94: {  	_ =	strace s3  }
0x95: {  	s3 =	sld [smem:$0x3FFD];
	_ =	sdelay $0x3  }
0x96: {  	_ =	strace s3  }
0x97: {  	_ =	strace $0x8FFFFFFF  }
0x98: {  	s19 =	sld [smem:$0x3FDB];
	_ =	sdelay $0x1  }
0x99: {  	s4 =	simm.s32 $_scs_section_size  }
0x9a: {  	s5 =	simm.s32 $_size__tile_overlayer_lowered;
	s6 =	simm.s32 $_tile_overlayer_lowered  }
0x9b: {  	s22 =	simm.s32 $0x1BFF;
	s21 =	sshll.u32 s6, $0x1;
	s3 =	sadd.s32 s4, s19  }
0x9c: {  	s7 =	simm.s32 $0x0;
	s20 =	sshll.u32 s5, $0x1;
	s5 =	sadd.s32 s21, s3  }
0x9d: {  	[timem:s7], [sflag:s22] =	dma.local [hbm:s5], s20  }
0x9e: {  	_ =	swait.ge [sflag:s22], s20  }
0x9f: {  	s4 =	ssub.s32 $0x0, s20;
	[sflag:s22] =	ssyncset.done $0x0  }
0xa0: {  	[sflag:s22] =	ssyncadd.s32 s4;
	_ =	sdelay $0x1  }
0xa1: {  	s23 =	simm.s32 $0x1B8B  }
0xa2: {  	_ =	swait.ge [sflag:s23], $0x1  }
0xa3: {  	[sflag:s23] =	ssyncset.done $0x0  }
0xa4: {  	s25 =	simm.s32 $0x1B8E;
	s24 =	sld [smem:$0x3FFE];
	[sflag:s23] =	ssyncadd.s32 $0xFFFFFFFF  }
0xa5: {  	s26 =	simm.s32 $execute0_lowered;
	[smem:$0x3FD2] =	sst s25  }
0xa6: {  	s5 =	sshll.u32 s26, $0x1;
	_ =	strace $0x80000046;
	[dreg:$0x1] =	wrdreg $0xFFFFFFFF  }
0xa7: {  	s28 =	simm.s32 $_size_execute0_lowered;
	s3 =	sadd.s32 s3, s5;
	[dreg:$0x0] =	wrdreg $0x0  }
0xa8: {  	s5 =	sshll.u32 s28, $0x1;
	[dreg:$0x2] =	wrdreg s3  }
0xa9: {  	[dreg:$0x3] =	wrdreg s5  }
0xaa: {  	[dreg:$0x4] =	wrdreg $0xC0  }
0xab: {  	_ =	task [dreg:s7], $0x5FFFF  }
0xac: {  	[dreg:$0x1] =	wrdreg $0xFFFFFFFF  }
0xad: {  	[dreg:$0x0] =	wrdreg $0x60  }
0xae: {  	[dreg:$0x2] =	wrdreg s24  }
0xaf: {  	[dreg:$0x3] =	wrdreg s2  }
0xb0: {  	[dreg:$0x4] =	wrdreg $0x4800  }
0xb1: {  	[dreg:$0x5] =	wrdreg $0x9  }
0xb2: {  	_ =	task.clear_ibuf [dreg:s7], $0x6FFFF;
	_ =	strace $0x90000046  }
0xb3: {  	s29 =	simm.s32 $0x9;
	_ =	strace $0x80000048  }
0xb4: {  	_ =	swait.ge [sflag:s29], $0x1  }
0xb5: {  	[sflag:s29] =	ssyncadd.s32 $0xFFFFFFFF  }
0xb6: {  	_ =	strace $0x90000048  }
0xb7: {  	_ =	sfence  }
0xb8: {  	s30 =	sld [smem:$0x0];
	_ =	sdelay $0x2  }
0xb9: {  	s31 =	sshll.u32 s1, $0xD;
	s1 =	sshrl.u32 s1, $0x2  }
0xba: {  	s3 =	sand.u32 $0x4000, s31;
	s1 =	sadd.s32 s1, s30  }
0xbb: {  	s0 =	sor.u32 s3, s0;
	s1 =	sshll.u32 s1, $0x11  }
0xbc: {  	s0 =	sor.u32 s1, s0  }
0xbd: {  	s0 =	sadd.s32 $0x8F2B, s0  }
0xbe: {  	[sflag:s0] =	ssyncadd.remote.s32 $0x1  }
0xbf: {  	_ =	sfence.sel $0xFFFF  }
0xc0: {  	[dreg:$0x0] =	wrdreg $0xFFFFFFFF;
	(pc) =	sbr.abs _section_cstart, $3  }
0xc1: {  	[dreg:$0x1] =	wrdreg $0xFFFFFFFF  }
0xc2: {  	_ =	task.clear_ibuf [dreg:s7], $0x2FFFF;
	_ =	strace $0x9FFFFFFF  }
0xc3: {  	(tm) =	ssettm $0x7FFFFFFF  }
tec
execute0_lowered:
.L_overlay_start_1:
0x0: {  	(tag) =	ssettag $0x1  }
0x1: {  	s4 =	rddreg [dreg:$0x0]  }
0x2: {  	s0 =	srdreg.scid;
	s7 =	rddreg [dreg:$0x1]  }
0x3: {  	s2 =	rddreg [dreg:$0x2];
	s1 =	stileid.u32;
	s3 =	simm.s32 $0x0  }
0x4: {  	s16 =	simm.s32 $0x80;
	s17 =	simm.s32 $0x1;
	s18 =	simm.s32 $0x180  }
0x5: {  	s19 =	simm.s32 $0x3;
	s20 =	simm.s32 $0x2;
	s21 =	simm.s32 $0x4  }
0x6: {  	s22 =	simm.s32 $0x100;
	s23 =	simm.s32 $0x10;
	s24 =	simm.s32 $0x0  }
0x7: {  	s5 =	sand.u32 $0x1, s0;
	s0 =	rddreg [dreg:$0x3];
	s9 =	smul.u32 $0x280, s1  }
0x8: {  	[smem:$0x7FF] =	sst s3;
	s13 =	sadd.s32 $0x1800, s4;
	s29 =	smul.u32 $0x2710, s1  }
0x9: {  	s6 =	sshll.u32 s5, $0x4;
	_ =	strace $0x80000047;
	s10 =	smul.u32 $0x2800, s5  }
0xa: {  	s8 =	ssub.s32 $0x2, s5;
	s11 =	smul.u32 $0x27100, s5;
	s6 =	sor.u32 s1, s6  }
0xb: {  	s25 =	sshrl.u32 s8, $0x1;
	s4 =	sadd.s32 s9, s2;
	s6 =	smul.u32 $0x2710, s6  }
0xc: {  	s8 =	ssub.s32 s8, s25;
	s28 =	sadd.s32 s9, s10;
	s11 =	sadd.s32 s29, s11  }
0xd: {  	s30 =	sshrl.u32 s28, $0x3;
	s8 =	smax.u32 s8, $0x1;
	s14 =	sadd.s32 $0x4E400, s11  }
0xe: {  	s15 =	sadd.s32 $0x4E380, s11;
	s26 =	sshrl.u32 s6, $0x3;
	s7 =	sadd.s32 s7, s30  }
0xf: {  	s14 =	sshrl.u32 s14, $0x3;
	s31 =	sshrl.u32 s15, $0x3;
	s12 =	sadd.s32 s13, s26  }
0x10: {  	s15 =	simm.s32 $0x5;
	s5 =	sadd.s32 $0x9C40, s12;
	s6 =	sadd.s32 $0xA120, s12  }
0x11: {  	s9 =	sadd.s32 $0x9C50, s12;
	s10 =	sadd.s32 $0x9C60, s12;
	s11 =	sadd.s32 $0xA110, s12  }
0x12: {  	v0 =	vimm.f32 $1.000000000e+00;
	v1 =	vimm.f32 $0.0e+00;
	s12 =	sadd.s32 s14, s13;
	s13 =	sadd.s32 s31, s13;
	s14 =	simm.s32 $0x200  }
.LBB2_1:
0x13: {  	[tilespmem:$0x180] =	vst v0  }
0x14: {  	[tilespmem:$0x190] =	vst v0  }
0x15: {  	[tilespmem:$0x1A0] =	vst v0  }
0x16: {  	[tilespmem:$0x1B0] =	vst v0  }
0x17: {  	[tilespmem:$0x1C0] =	vst v0  }
0x18: {  	[tilespmem:$0x1D0] =	vst v0  }
0x19: {  	[tilespmem:$0x1E0] =	vst v0  }
0x1a: {  	[tilespmem:$0x1F0] =	vst v0  }
0x1b: {  	[tilespmem:$0x200] =	vst v1  }
0x1c: {  	[tilespmem:$0x210] =	vst v1  }
0x1d: {  	[tilespmem:$0x220] =	vst v1  }
0x1e: {  	[tilespmem:$0x230] =	vst v1  }
0x1f: {  	[tilespmem:$0x240] =	vst v1  }
0x20: {  	[tilespmem:$0x250] =	vst v1  }
0x21: {  	[tilespmem:$0x260] =	vst v1  }
0x22: {  	[tilespmem:$0x270] =	vst v1  }
0x23: {  	[tilespmem:$0x280] =	vst v1  }
0x24: {  	[tilespmem:$0x290] =	vst v1  }
0x25: {  	[tilespmem:$0x2A0] =	vst v1  }
0x26: {  	[tilespmem:$0x2B0] =	vst v1  }
0x27: {  	[tilespmem:$0x2C0] =	vst v1  }
0x28: {  	[tilespmem:$0x2D0] =	vst v1  }
0x29: {  	[tilespmem:$0x2E0] =	vst v1  }
0x2a: {  	[tilespmem:$0x2F0] =	vst v1  }
0x2b: {  	[tilespmem:$0x300] =	vst v1  }
0x2c: {  	[tilespmem:$0x310] =	vst v1  }
0x2d: {  	[tilespmem:$0x320] =	vst v1  }
0x2e: {  	[tilespmem:$0x330] =	vst v1  }
0x2f: {  	[tilespmem:$0x340] =	vst v1  }
0x30: {  	[tilespmem:$0x350] =	vst v1  }
0x31: {  	[tilespmem:$0x360] =	vst v1  }
0x32: {  	[tilespmem:$0x370] =	vst v1  }
0x33: {  	[tilespmem:$0x380] =	vst v1  }
0x34: {  	[tilespmem:$0x390] =	vst v1  }
0x35: {  	[tilespmem:$0x3A0] =	vst v1  }
0x36: {  	[tilespmem:$0x3B0] =	vst v1  }
0x37: {  	[tilespmem:$0x3C0] =	vst v1  }
0x38: {  	[tilespmem:$0x3D0] =	vst v1  }
0x39: {  	[tilespmem:$0x3E0] =	vst v1  }
0x3a: {  	[tilespmem:$0x3F0] =	vst v1  }
0x3b: {  	[tilespmem:$0x400] =	vst v1  }
0x3c: {  	[tilespmem:$0x410] =	vst v1  }
0x3d: {  	[tilespmem:$0x420] =	vst v1  }
0x3e: {  	[tilespmem:$0x430] =	vst v1  }
0x3f: {  	[tilespmem:$0x440] =	vst v1  }
0x40: {  	[tilespmem:$0x450] =	vst v1  }
0x41: {  	[tilespmem:$0x460] =	vst v1  }
0x42: {  	[tilespmem:$0x470] =	vst v1  }
0x43: {  	[spmem:s4] =	stream.linear.scatter [tilespmem:s14], [sflag:$0x5], $0x280, $0x38;
	[tilespmem:$0x700] =	vst v63  }
0x44: {  	_ =	swait.ge [sflag:s15], $0x280  }
0x45: {  	[sflag:s15] =	ssyncset.done $0x0  }
0x46: {  	[sflag:s15] =	ssyncadd.s32 $0xFFFFFD80  }
0x47: {  	[bflag:$0x0] =	sbarrier.arrive $0xFFFF  }
0x48: {  	[tilespmem:s3], [sflag:$0x1] =	stream.linear.gather [hbm4b:s5+s3], $0x80, $0x38;
	[tilespmem:$0x700] =	vst v63  }
0x49: {  	_ = 	snop  }
0x4a: {  	[tilespmem:s16], [sflag:$0x2] =	stream.linear.gather [hbm4b:s9+s3], $0x80, $0x38;
	[tilespmem:$0x700] =	vst v63  }
0x4b: {  	_ =	swait.ge [sflag:s17], $0x80  }
0x4c: {  	[sflag:s17] =	ssyncset.done $0x0  }
0x4d: {  	[sflag:s17] =	ssyncadd.s32 $0xFFFFFF80  }
0x4e: {  	[spmem:s2] =	stream.indirect.scatter.add.f32 [tilespmem:s18], [sflag:$0x3], $0x1, s3, s16, $0xb8;
	[tilespmem:$0x700] =	vst v63  }
0x4f: {  	_ =	swait.ge [sflag:s19], $0x80  }
0x50: {  	[sflag:s19] =	ssyncset.done $0x0  }
0x51: {  	[sflag:s19] =	ssyncadd.s32 $0xFFFFFF80  }
0x52: {  	[tilespmem:s3], [sflag:$0x1] =	stream.linear.gather [hbm4b:s10+s3], $0x80, $0x38;
	[tilespmem:$0x700] =	vst v63  }
0x53: {  	_ =	swait.ge [sflag:s20], $0x80  }
0x54: {  	[sflag:s20] =	ssyncset.done $0x0  }
0x55: {  	[sflag:s20] =	ssyncadd.s32 $0xFFFFFF80  }
0x56: {  	[spmem:s2] =	stream.indirect.scatter.add.f32 [tilespmem:s18], [sflag:$0x4], $0x1, s16, s16, $0xb8;
	[tilespmem:$0x700] =	vst v63  }
0x57: {  	_ =	swait.ge [sflag:s21], $0x80  }
0x58: {  	[sflag:s21] =	ssyncset.done $0x0  }
0x59: {  	s25 =	sadd.s32 $0x0, s13;
	[sflag:s21] =	ssyncadd.s32 $0xFFFFFF80  }
0x5a: {  	[tilespmem:s16], [sflag:$0x2] =	stream.linear.gather [hbm4b:s25+s3], $0x80, $0x38;
	[tilespmem:$0x700] =	vst v63  }
0x5b: {  	_ =	swait.ge [sflag:s17], $0x80  }
0x5c: {  	[sflag:s17] =	ssyncset.done $0x0  }
0x5d: {  	[sflag:s17] =	ssyncadd.s32 $0xFFFFFF80  }
0x5e: {  	[spmem:s2] =	stream.indirect.scatter.add.f32 [tilespmem:s18], [sflag:$0x3], $0x1, s3, s16, $0xb8;
	[tilespmem:$0x700] =	vst v63  }
0x5f: {  	_ =	swait.ge [sflag:s19], $0x80  }
0x60: {  	[sflag:s19] =	ssyncset.done $0x0  }
0x61: {  	s31 =	sadd.s32 $0x0, s12;
	[sflag:s19] =	ssyncadd.s32 $0xFFFFFF80  }
0x62: {  	[tilespmem:s3], [sflag:$0x1] =	stream.linear.gather [hbm4b:s31+s3], $0x80, $0x38;
	[tilespmem:$0x700] =	vst v63  }
0x63: {  	_ =	swait.ge [sflag:s20], $0x80  }
0x64: {  	[sflag:s20] =	ssyncset.done $0x0  }
0x65: {  	s25 =	simm.s32 $0x20;
	[sflag:s20] =	ssyncadd.s32 $0xFFFFFF80  }
.LBB2_2:
0x66: {  	[spmem:s2] =	stream.indirect.scatter.add.f32 [tilespmem:s18], [sflag:$0x4], $0x1, s16, s16, $0xb8;
	[tilespmem:$0x700] =	vst v63  }
0x67: {  	s26 =	smov.u32 s25  }
0x68: {  	p0 =	sne.s32 s25, $0x480;
	s25 =	sadd.s32 $0x20, s25;
	_ =	swait.ge [sflag:s21], $0x80  }
0x69: {  	[sflag:s21] =	ssyncset.done $0x0  }
0x6a: {  	s28 =	sadd.s32 s26, s13;
	[sflag:s21] =	ssyncadd.s32 $0xFFFFFF80  }
0x6b: {  	[tilespmem:s16], [sflag:$0x2] =	stream.linear.gather [hbm4b:s28+s3], $0x80, $0x38;
	[tilespmem:$0x700] =	vst v63  }
0x6c: {  	_ =	swait.ge [sflag:s17], $0x80  }
0x6d: {  	[sflag:s17] =	ssyncset.done $0x0  }
0x6e: {  	[sflag:s17] =	ssyncadd.s32 $0xFFFFFF80  }
0x6f: {  	[spmem:s2] =	stream.indirect.scatter.add.f32 [tilespmem:s18], [sflag:$0x3], $0x1, s3, s16, $0xb8;
	[tilespmem:$0x700] =	vst v63  }
0x70: {  	_ =	swait.ge [sflag:s19], $0x80  }
0x71: {  	[sflag:s19] =	ssyncset.done $0x0  }
.Ltmp0:
0x72: {  	s26 =	sadd.s32 s26, s12;
	[sflag:s19] =	ssyncadd.s32 $0xFFFFFF80;
	(pc) =	sbr.rel @p0 .LBB2_2-.Ltmp0, $4  }
0x73: {  	[tilespmem:s3], [sflag:$0x1] =	stream.linear.gather [hbm4b:s26+s3], $0x80, $0x38;
	[tilespmem:$0x700] =	vst v63  }
0x74: {  	_ =	swait.ge [sflag:s20], $0x80  }
0x75: {  	[sflag:s20] =	ssyncset.done $0x0  }
0x76: {  	[sflag:s20] =	ssyncadd.s32 $0xFFFFFF80  }
0x77: {  	[spmem:s2] =	stream.indirect.scatter.add.f32 [tilespmem:s18], [sflag:$0x4], $0x1, s16, s16, $0xb8;
	[tilespmem:$0x700] =	vst v63  }
0x78: {  	_ =	swait.ge [sflag:s21], $0x80  }
0x79: {  	[sflag:s21] =	ssyncset.done $0x0  }
0x7a: {  	[sflag:s21] =	ssyncadd.s32 $0xFFFFFF80  }
0x7b: {  	[tilespmem:s16], [sflag:$0x2] =	stream.linear.gather [hbm4b:s11+s3], $0x80, $0x38;
	[tilespmem:$0x700] =	vst v63  }
0x7c: {  	_ =	swait.ge [sflag:s17], $0x80  }
0x7d: {  	[sflag:s17] =	ssyncset.done $0x0  }
0x7e: {  	[sflag:s17] =	ssyncadd.s32 $0xFFFFFF80  }
0x7f: {  	[spmem:s2] =	stream.indirect.scatter.add.f32 [tilespmem:s18], [sflag:$0x3], $0x1, s3, s16, $0xb8;
	[tilespmem:$0x700] =	vst v63  }
0x80: {  	_ =	swait.ge [sflag:s20], $0x80  }
0x81: {  	[sflag:s20] =	ssyncset.done $0x0  }
0x82: {  	[sflag:s20] =	ssyncadd.s32 $0xFFFFFF80  }
0x83: {  	[spmem:s2] =	stream.indirect.scatter.add.f32 [tilespmem:s18], [sflag:$0x4], $0x1, s16, s16, $0xb8;
	[tilespmem:$0x700] =	vst v63  }
0x84: {  	_ =	swait.ge [sflag:s19], $0x80  }
0x85: {  	[sflag:s19] =	ssyncset.done $0x0  }
0x86: {  	[sflag:s19] =	ssyncadd.s32 $0xFFFFFF80  }
0x87: {  	_ =	swait.ge [sflag:s21], $0x80  }
0x88: {  	[sflag:s21] =	ssyncset.done $0x0  }
0x89: {  	[sflag:s21] =	ssyncadd.s32 $0xFFFFFF80  }
0x8a: {  	[tilespmem:s22], [sflag:$0x5] =	stream.linear.gather [hbm4b:s6+s3], $0x10, $0x38;
	[tilespmem:$0x700] =	vst v63  }
0x8b: {  	_ =	swait.ge [sflag:s15], $0x10  }
0x8c: {  	[sflag:s15] =	ssyncset.done $0x0  }
0x8d: {  	[sflag:s15] =	ssyncadd.s32 $0xFFFFFFF0  }
0x8e: {  	[spmem:s2] =	stream.indirect.scatter.add.f32 [tilespmem:s18], [sflag:$0x5], $0x1, s22, s23, $0xb8;
	[tilespmem:$0x700] =	vst v63  }
0x8f: {  	_ =	swait.ge [sflag:s15], $0x10  }
0x90: {  	[sflag:s15] =	ssyncset.done $0x0  }
0x91: {  	[sflag:s15] =	ssyncadd.s32 $0xFFFFFFF0  }
0x92: {  	[bflag:$0x0] =	sbarrier.arrive $0xFFFF  }
0x93: {  	[tilespmem:s14], [sflag:$0x5] =	stream.linear.gather [spmem:s4], $0x280, $0x38;
	[tilespmem:$0x700] =	vst v63  }
0x94: {  	s24 =	sadd.s32 $0x1, s24;
	_ =	swait.ge [sflag:s15], $0x280  }
0x95: {  	p0 =	sne.s32 s24, s8;
	[sflag:s15] =	ssyncset.done $0x0  }
.Ltmp1:
0x96: {  	[sflag:s15] =	ssyncadd.s32 $0xFFFFFD80;
	(pc) =	sbr.rel @p0 .LBB2_1-.Ltmp1, $4  }
0x97: {  	[hbm4b:s7+s3] =	stream.linear.scatter [tilespmem:s14], [sflag:$0x5], $0x280, $0x38;
	[tilespmem:$0x700] =	vst v63  }
0x98: {  	_ =	swait.ge [sflag:s15], $0x280  }
0x99: {  	[sflag:s15] =	ssyncset.done $0x0  }
0x9a: {  	[sflag:s15] =	ssyncadd.s32 $0xFFFFFD80  }
0x9b: {  	_ =	sfence.sel $0x180000  }
0x9c: {  	[bflag:$0x0] =	sbarrier.arrive $0xFFFF  }
0x9d: {  	p0 =	sne.s32 s1, $0x0;
	_ =	strace $0x90000047  }
0x9e: {  	s0 =	sadd.s32 @!p0 $0x100000, s0;
	[bflag:$0x2] =	sbarrier.arrive $0xFFFF  }
0x9f: {  	[sflag:s0] =	ssyncadd.tile.s32 @!p0 $0x1;
	_ =	shalt  }
.Lfunc_end2:
_tile_overlayer_lowered:
.L_overlay_start_2:
0xa0: {  	(tag) =	ssettag $0x2  }
0xa1: {  	s0 =	rddreg [dreg:$0x0];
	s2 =	stileid.u32  }
0xa2: {  	s1 =	rddreg [dreg:$0x1];
	p0 =	sne.s32 s2, $0x0  }
0xa3: {  	s3 =	rddreg [dreg:$0x2];
	[bflag:$0x3] =	sbarrier.arrive $0xFFFF;
	s2 =	simm.s32 @!p0 $0x1C05  }
0xa4: {  	[timem:s3], [sflag:s2] =	dma.local @!p0 [hbm:s0], s1  }
0xa5: {  	s0 =	simm.s32 @!p0 $0x5  }
0xa6: {  	_ =	swait.ge @!p0 [sflag:s0], s1  }
0xa7: {  	s1 =	ssub.s32 @!p0 $0x0, s1;
	[sflag:s0] =	ssyncset.done @!p0 $0x0  }
0xa8: {  	[sflag:s0] =	ssyncadd.s32 @!p0 s1  }
0xa9: {  	[bflag:$0x3] =	sbarrier.arrive $0xFFFF  }
0xaa: {  	_ =	shalt  }

</sc_bundles>
